<compile_context>
chip_gen: v7x
topology: tpu7x:2x2x1
jax: 0.10.2.dev20260603
libtpu: 0.0.44.dev20260713+nightly
codegen_flags: <defaults>
</compile_context>

<pallas_src>
import functools

import jax
import jax.numpy as jnp
from jax import lax
from jax.experimental import pallas as pl
from jax.experimental.pallas import tpu as pltpu
from jax.experimental.pallas import tpu_sc as plsc

_VOCAB = 1000000
_HIDDEN = 64
_MAX_LEN = 200
_BATCH = 4096
_SEQ = 200
_EPS = 1e-8

_L = 16
_NC, _NS = 2, 16
_NW = _NC * _NS
_IRW = 64
_CHUNK_IR = 8
_CHUNK = _CHUNK_IR * _IRW
_ROWS = _BATCH * _SEQ
_IR_TOTAL = _ROWS // _IRW
_IR_PER_W = _IR_TOTAL // _NW
_NCHUNK = _IR_PER_W // _CHUNK_IR
_NBUF = 3
_BLK = _L
_NBLK = _CHUNK // _BLK


def _rsqrt(x):
    i = lax.bitcast_convert_type(x, jnp.int32)
    i = jnp.int32(0x5F3759DF) - lax.shift_right_logical(i, 1)
    y = lax.bitcast_convert_type(i, jnp.float32)
    for _ in range(2):
        y = y * (1.5 - 0.5 * x * y * y)
    return y


_GDN = lax.GatherDimensionNumbers(
    offset_dims=(), collapsed_slice_dims=(0,), start_index_map=(0,))


def _shuffle(v, idx):
    return lax.gather(v, jnp.reshape(idx, (_L, 1)), dimension_numbers=_GDN,
                      slice_sizes=(1,),
                      mode=lax.GatherScatterMode.PROMISE_IN_BOUNDS)


def _sc_body(tok_hbm, words_hbm, pos_hbm, gam_hbm, bet_hbm, out_hbm,
             idx_v, buf_v, pos_v, gam_v, bet_v,
             semi, semg, semo):
    c_ax = lax.axis_index("c")
    s_ax = lax.axis_index("s")
    wid = s_ax * _NC + c_ax
    base_ir = wid * _IR_PER_W

    pltpu.sync_copy(pos_hbm, pos_v)
    pltpu.sync_copy(gam_hbm, gam_v)
    pltpu.sync_copy(bet_hbm, bet_v)
    gs = [gam_v[pl.ds(j * _L, _L)] for j in range(_HIDDEN // _L)]
    bs = [bet_v[pl.ds(j * _L, _L)] for j in range(_HIDDEN // _L)]
    lane = lax.iota(jnp.int32, _L)

    def issue_idx(c, b):
        pltpu.async_copy(tok_hbm.at[pl.ds(base_ir + c * _CHUNK_IR,
                                          _CHUNK_IR)],
                         idx_v.at[b], semi.at[b])

    def wait_idx(b):
        pltpu.make_async_copy(tok_hbm.at[pl.ds(0, _CHUNK_IR)],
                              idx_v.at[b], semi.at[b]).wait()

    def issue_gathers(b):
        for k in range(_CHUNK_IR):
            pltpu.async_copy(words_hbm.at[idx_v.at[b, k]],
                             buf_v.at[b, k], semg.at[b])

    def wait_gathers(b):
        for k in range(_CHUNK_IR):
            pltpu.make_async_copy(words_hbm.at[idx_v.at[b, k]],
                                  buf_v.at[b, k], semg.at[b]).wait()

    def issue_out(c, b):
        pltpu.async_copy(buf_v.at[b],
                         out_hbm.at[pl.ds(base_ir + c * _CHUNK_IR,
                                          _CHUNK_IR)], semo.at[b])

    def wait_out(b):
        pltpu.make_async_copy(buf_v.at[b], out_hbm.at[pl.ds(0, _CHUNK_IR)],
                              semo.at[b]).wait()

    def compute_chunk(c, b):
        row0 = (base_ir + c * _CHUNK_IR) * _IRW
        bfly = [jnp.reshape(lane ^ sh, (_L, 1)) for sh in (8, 4, 2, 1)]
        grp = 4
        nj = _HIDDEN // _L

        def group_body(i, carry):
            f = i * grp
            kk = lax.shift_right_logical(f, 6)
            r0 = f & (_IRW - 1)
            pbase = lax.rem(row0 + f, _SEQ)

            rrs, ps = [], []
            for r in range(grp):
                rrs.append(r0 + r)
                pr = pbase + r
                ps.append(lax.select(pr >= _SEQ, pr - _SEQ, pr))

            xs = [[buf_v[b, kk, rrs[r], pl.ds(j * _L, _L)]
                   + pos_v[ps[r], pl.ds(j * _L, _L)]
                   for j in range(nj)] for r in range(grp)]

            sv = [(xs[r][0] + xs[r][1]) + (xs[r][2] + xs[r][3])
                  for r in range(grp)]
            qv = [(xs[r][0] * xs[r][0] + xs[r][1] * xs[r][1])
                  + (xs[r][2] * xs[r][2] + xs[r][3] * xs[r][3])
                  for r in range(grp)]

            for idx in bfly:
                for r in range(grp):
                    sv[r] = sv[r] + _shuffle(sv[r], idx)
                    qv[r] = qv[r] + _shuffle(qv[r], idx)

            means, rstds = [], []
            for r in range(grp):
                mean = sv[r] * (1.0 / _HIDDEN)
                var = qv[r] * (1.0 / _HIDDEN) - mean * mean
                means.append(mean)
                rstds.append(var + _EPS)
            for r in range(grp):
                rstds[r] = _rsqrt(rstds[r])

            for r in range(grp):
                for j in range(nj):
                    buf_v[b, kk, rrs[r], pl.ds(j * _L, _L)] = (
                        (xs[r][j] - means[r]) * rstds[r] * gs[j] + bs[j])
            return carry

        lax.fori_loop(0, _CHUNK // grp, group_body, 0, unroll=False)

    issue_idx(jnp.int32(0), 0)
    issue_idx(jnp.int32(1), 1)
    wait_idx(0)
    issue_gathers(0)

    def chunk_loop(c, carry):
        b = lax.rem(c, _NBUF)
        b1 = lax.rem(c + 1, _NBUF)
        b2 = lax.rem(c + 2, _NBUF)

        @pl.when(c < _NCHUNK - 2)
        def _():
            issue_idx(c + 2, b2)

        @pl.when(c < _NCHUNK - 1)
        def _():
            wait_idx(b1)

        @pl.when(jnp.logical_and(c >= 2, c < _NCHUNK - 1))
        def _():
            wait_out(b1)

        @pl.when(c < _NCHUNK - 1)
        def _():
            issue_gathers(b1)

        wait_gathers(b)
        compute_chunk(c, b)
        issue_out(c, b)
        return carry

    lax.fori_loop(0, _NCHUNK, chunk_loop, 0, unroll=False)

    for b in range(_NBUF):
        wait_out(b)


def kernel(tokens, words, positions, ln_gamma, ln_beta):
    tok2 = tokens.reshape(_IR_TOTAL, _IRW)
    mesh = plsc.VectorSubcoreMesh(core_axis_name="c", subcore_axis_name="s")
    run = functools.partial(
        pl.kernel,
        out_type=jax.ShapeDtypeStruct((_IR_TOTAL, _IRW, _HIDDEN),
                                      jnp.float32),
        mesh=mesh,
        scratch_types=[
            pltpu.VMEM((_NBUF, _CHUNK_IR, _IRW), jnp.int32),
            pltpu.VMEM((_NBUF, _CHUNK_IR, _IRW, _HIDDEN), jnp.float32),
            pltpu.VMEM((_MAX_LEN, _HIDDEN), jnp.float32),
            pltpu.VMEM((_HIDDEN,), jnp.float32),
            pltpu.VMEM((_HIDDEN,), jnp.float32),
            pltpu.SemaphoreType.DMA((_NBUF,)),
            pltpu.SemaphoreType.DMA((_NBUF,)),
            pltpu.SemaphoreType.DMA((_NBUF,)),
        ],
        compiler_params=pltpu.CompilerParams(use_tc_tiling_on_sc=False,
                                             needs_layout_passes=False),
    )(_sc_body)
    out = run(tok2, words, positions, ln_gamma, ln_beta)
    return out.reshape(_BATCH, _SEQ, _HIDDEN)

# --- scband reference (transcript-rebuilt; emitter-appended) ---
"""Pipeline reference for scband-word-and-positional-embedding-85856396247899 (READ-ONLY COPY).

The authoritative reference and input builder live on the scoring server;
editing this copy changes nothing except your own understanding.
"""

import jax, jax.numpy as jnp
import numpy as np

VOCAB = 1000000
HIDDEN = 64
MAX_LEN = 200
BATCH = 4096
SEQ = 200
EPS = 1e-8


def setup_inputs(seed: int = 0) -> dict:
    key = jax.random.key(seed)
    k_tok, k_w, k_p, _ = jax.random.split(key, 4)
    tokens = jax.random.randint(k_tok, (BATCH, SEQ), 0, VOCAB, dtype=jnp.int64 if jax.config.jax_enable_x64 else jnp.int32).astype(jnp.int32)
    words = jax.random.normal(k_w, (VOCAB, HIDDEN), dtype=jnp.float32) * 0.02
    positions = jax.random.normal(k_p, (MAX_LEN, HIDDEN), dtype=jnp.float32) * 0.02
    ln_gamma = jnp.ones((HIDDEN,), dtype=jnp.float32)
    ln_beta = jnp.zeros((HIDDEN,), dtype=jnp.float32)
    return {"tokens": tokens, "words": words, "positions": positions, "ln_gamma": ln_gamma, "ln_beta": ln_beta}


def reference(tokens, words, positions, ln_gamma, ln_beta):
    batch_size, caption_length = tokens.shape
    position_indices = jnp.arange(caption_length, dtype=jnp.int32)
    position_indices = jnp.broadcast_to(position_indices[None, :], (batch_size, caption_length))
    word_embeddings = jnp.take(words, tokens, axis=0)
    position_embeddings = jnp.take(positions, position_indices, axis=0)
    embeddings = word_embeddings + position_embeddings
    mean = jnp.mean(embeddings, axis=-1, keepdims=True)
    var = jnp.mean(jnp.square(embeddings - mean), axis=-1, keepdims=True)
    normed = (embeddings - mean) / jnp.sqrt(var + EPS)
    out = normed * ln_gamma + ln_beta
    # dropout is identity in eval/reference mode
    return out

if __name__ == "__main__":
    import jax
    _d = setup_inputs()
    print(jax.jit(kernel)(*tuple(_d.values())))

</pallas_src>

<mosaic_0001>
#map = affine_map<(d0, d1) -> (0, 0)>
#map1 = affine_map<(d0, d1) -> (0)>
#map2 = affine_map<(d0, d1) -> (0, 0, 0)>
module attributes {stable_mosaic.version = 14 : i64} {
  func.func @_sc_body(%arg0: i32, %arg1: i32, %arg2: memref<12800x64xi32, #tpu.memory_space<hbm>>, %arg3: memref<1000000x64xf32, #tpu.memory_space<hbm>>, %arg4: memref<200x64xf32, #tpu.memory_space<hbm>>, %arg5: memref<64xf32, #tpu.memory_space<hbm>>, %arg6: memref<64xf32, #tpu.memory_space<hbm>>, %arg7: memref<12800x64x64xf32, #tpu.memory_space<hbm>>, %arg8: memref<3x8x64xi32, #tpu.memory_space<vmem>>, %arg9: memref<3x8x64x64xf32, #tpu.memory_space<vmem>>, %arg10: memref<200x64xf32, #tpu.memory_space<vmem>>, %arg11: memref<64xf32, #tpu.memory_space<vmem>>, %arg12: memref<64xf32, #tpu.memory_space<vmem>>, %arg13: memref<3x!tpu.dma_semaphore, #tpu.memory_space<semaphore_mem>>, %arg14: memref<3x!tpu.dma_semaphore, #tpu.memory_space<semaphore_mem>>, %arg15: memref<3x!tpu.dma_semaphore, #tpu.memory_space<semaphore_mem>>) attributes {dimension_semantics = [#tpu.dimension_semantics<core_parallel>, #tpu.dimension_semantics<subcore_parallel>], iteration_bounds = array<i64: 2, 16>, scalar_prefetch = 0 : i64, scratch_operands = 8 : i64, tpu.core_type = #tpu.core_type<sc_vector_subcore>, window_params = [{transform_indices = #map}, {transform_indices = #map}, {transform_indices = #map}, {transform_indices = #map1}, {transform_indices = #map1}, {transform_indices = #map2}]} {
    %mul3A = arith.constant 2 : i32
    %mul3A_0 = arith.muli %arg1, %mul3A : i32
    %add3A = arith.addi %mul3A_0, %arg0 : i32
    %mul3A_1 = arith.constant 400 : i32
    %mul3A_2 = arith.muli %add3A, %mul3A_1 : i32
    "tpu.region"() ({
      %run_scoped3A = tpu.sem_alloc : memref<!tpu.dma_semaphore, #tpu.memory_space<semaphore_mem>>
      tpu.enqueue_dma source(%arg4 : memref<200x64xf32, #tpu.memory_space<hbm>>) target(%arg10 : memref<200x64xf32, #tpu.memory_space<vmem>>) target_semaphore(%run_scoped3A : memref<!tpu.dma_semaphore, #tpu.memory_space<semaphore_mem>>)
      tpu.wait_dma2 semaphore(%run_scoped3A : memref<!tpu.dma_semaphore, #tpu.memory_space<semaphore_mem>>) src(%arg4 : memref<200x64xf32, #tpu.memory_space<hbm>>) dst(%arg10 : memref<200x64xf32, #tpu.memory_space<vmem>>)
      tpu.yield
    }) : () -> ()
    "tpu.region"() ({
      %run_scoped3A = tpu.sem_alloc : memref<!tpu.dma_semaphore, #tpu.memory_space<semaphore_mem>>
      tpu.enqueue_dma source(%arg5 : memref<64xf32, #tpu.memory_space<hbm>>) target(%arg11 : memref<64xf32, #tpu.memory_space<vmem>>) target_semaphore(%run_scoped3A : memref<!tpu.dma_semaphore, #tpu.memory_space<semaphore_mem>>)
      tpu.wait_dma2 semaphore(%run_scoped3A : memref<!tpu.dma_semaphore, #tpu.memory_space<semaphore_mem>>) src(%arg5 : memref<64xf32, #tpu.memory_space<hbm>>) dst(%arg11 : memref<64xf32, #tpu.memory_space<vmem>>)
      tpu.yield
    }) : () -> ()
    "tpu.region"() ({
      %run_scoped3A = tpu.sem_alloc : memref<!tpu.dma_semaphore, #tpu.memory_space<semaphore_mem>>
      tpu.enqueue_dma source(%arg6 : memref<64xf32, #tpu.memory_space<hbm>>) target(%arg12 : memref<64xf32, #tpu.memory_space<vmem>>) target_semaphore(%run_scoped3A : memref<!tpu.dma_semaphore, #tpu.memory_space<semaphore_mem>>)
      tpu.wait_dma2 semaphore(%run_scoped3A : memref<!tpu.dma_semaphore, #tpu.memory_space<semaphore_mem>>) src(%arg6 : memref<64xf32, #tpu.memory_space<hbm>>) dst(%arg12 : memref<64xf32, #tpu.memory_space<vmem>>)
      tpu.yield
    }) : () -> ()
    %get3A = arith.constant 0 : index
    %get3A_3 = tpu.vector_load %arg11[%get3A] {strides = array<i32>} : memref<64xf32, #tpu.memory_space<vmem>>, vector<16xf32>,
    %get3A_4 = arith.constant 16 : index
    %get3A_5 = tpu.vector_load %arg11[%get3A_4] {strides = array<i32>} : memref<64xf32, #tpu.memory_space<vmem>>, vector<16xf32>,
    %get3A_6 = arith.constant 32 : index
    %get3A_7 = tpu.vector_load %arg11[%get3A_6] {strides = array<i32>} : memref<64xf32, #tpu.memory_space<vmem>>, vector<16xf32>,
    %get3A_8 = arith.constant 48 : index
    %get3A_9 = tpu.vector_load %arg11[%get3A_8] {strides = array<i32>} : memref<64xf32, #tpu.memory_space<vmem>>, vector<16xf32>,
    %get3A_10 = arith.constant 0 : index
    %get3A_11 = tpu.vector_load %arg12[%get3A_10] {strides = array<i32>} : memref<64xf32, #tpu.memory_space<vmem>>, vector<16xf32>,
    %get3A_12 = arith.constant 16 : index
    %get3A_13 = tpu.vector_load %arg12[%get3A_12] {strides = array<i32>} : memref<64xf32, #tpu.memory_space<vmem>>, vector<16xf32>,
    %get3A_14 = arith.constant 32 : index
    %get3A_15 = tpu.vector_load %arg12[%get3A_14] {strides = array<i32>} : memref<64xf32, #tpu.memory_space<vmem>>, vector<16xf32>,
    %get3A_16 = arith.constant 48 : index
    %get3A_17 = tpu.vector_load %arg12[%get3A_16] {strides = array<i32>} : memref<64xf32, #tpu.memory_space<vmem>>, vector<16xf32>,
    %iota3A = tpu.iota {dimensions = array<i32: 0>} : vector<16xi32>
    %mul3A_18 = arith.constant 0 : i32
    %mul3A_19 = arith.constant 8 : i32
    %mul3A_20 = arith.muli %mul3A_18, %mul3A_19 : i32
    %add3A_21 = arith.addi %mul3A_2, %mul3A_20 : i32
    %dma_start3A = arith.constant 0 : i32
    %dma_start3A_22 = arith.constant 0 : i32
    %dma_start3A_23 = arith.constant 0 : i32
    %dma_start3A_24 = arith.constant 0 : i32
    %dma_start3A_25 = tpu.memref_slice %arg8[%dma_start3A, %dma_start3A_23, %dma_start3A_24] : memref<3x8x64xi32, #tpu.memory_space<vmem>> -> memref<1x8x64xi32, #tpu.memory_space<vmem>>
    %dma_start3A_26 = tpu.memref_squeeze %dma_start3A_25 : memref<1x8x64xi32, #tpu.memory_space<vmem>> -> memref<8x64xi32, #tpu.memory_space<vmem>>
    %dma_start3A_27 = arith.constant 0 : i32
    %dma_start3A_28 = tpu.memref_slice %arg2[%add3A_21, %dma_start3A_27] : memref<12800x64xi32, #tpu.memory_space<hbm>> -> memref<8x64xi32, #tpu.memory_space<hbm>>
    %dma_start3A_29 = tpu.memref_slice %arg13[%dma_start3A_22] : memref<3x!tpu.dma_semaphore, #tpu.memory_space<semaphore_mem>> -> memref<1x!tpu.dma_semaphore, #tpu.memory_space<semaphore_mem>>
    %dma_start3A_30 = tpu.memref_squeeze %dma_start3A_29 : memref<1x!tpu.dma_semaphore, #tpu.memory_space<semaphore_mem>> -> memref<!tpu.dma_semaphore, #tpu.memory_space<semaphore_mem>>
    %dma_start3A_31 = arith.constant 0 : i32
    %dma_start3A_32 = arith.constant 0 : i32
    %dma_start3A_33 = tpu.memref_slice %arg8[%dma_start3A, %dma_start3A_31, %dma_start3A_32] : memref<3x8x64xi32, #tpu.memory_space<vmem>> -> memref<1x8x64xi32, #tpu.memory_space<vmem>>
    %dma_start3A_34 = tpu.memref_squeeze %dma_start3A_33 : memref<1x8x64xi32, #tpu.memory_space<vmem>> -> memref<8x64xi32, #tpu.memory_space<vmem>>
    %dma_start3A_35 = arith.constant 0 : i32
    %dma_start3A_36 = tpu.memref_slice %arg2[%add3A_21, %dma_start3A_35] : memref<12800x64xi32, #tpu.memory_space<hbm>> -> memref<8x64xi32, #tpu.memory_space<hbm>>
    tpu.enqueue_dma source(%dma_start3A_36 : memref<8x64xi32, #tpu.memory_space<hbm>>) target(%dma_start3A_34 : memref<8x64xi32, #tpu.memory_space<vmem>>) target_semaphore(%dma_start3A_30 : memref<!tpu.dma_semaphore, #tpu.memory_space<semaphore_mem>>)
    %mul3A_37 = arith.constant 1 : i32
    %mul3A_38 = arith.constant 8 : i32
    %mul3A_39 = arith.muli %mul3A_37, %mul3A_38 : i32
    %add3A_40 = arith.addi %mul3A_2, %mul3A_39 : i32
    %dma_start3A_41 = arith.constant 1 : i32
    %dma_start3A_42 = arith.constant 1 : i32
    %dma_start3A_43 = arith.constant 0 : i32
    %dma_start3A_44 = arith.constant 0 : i32
    %dma_start3A_45 = tpu.memref_slice %arg8[%dma_start3A_41, %dma_start3A_43, %dma_start3A_44] : memref<3x8x64xi32, #tpu.memory_space<vmem>> -> memref<1x8x64xi32, #tpu.memory_space<vmem>>
    %dma_start3A_46 = tpu.memref_squeeze %dma_start3A_45 : memref<1x8x64xi32, #tpu.memory_space<vmem>> -> memref<8x64xi32, #tpu.memory_space<vmem>>
    %dma_start3A_47 = arith.constant 0 : i32
    %dma_start3A_48 = tpu.memref_slice %arg2[%add3A_40, %dma_start3A_47] : memref<12800x64xi32, #tpu.memory_space<hbm>> -> memref<8x64xi32, #tpu.memory_space<hbm>>
    %dma_start3A_49 = tpu.memref_slice %arg13[%dma_start3A_42] : memref<3x!tpu.dma_semaphore, #tpu.memory_space<semaphore_mem>> -> memref<1x!tpu.dma_semaphore, #tpu.memory_space<semaphore_mem>>
    %dma_start3A_50 = tpu.memref_squeeze %dma_start3A_49 : memref<1x!tpu.dma_semaphore, #tpu.memory_space<semaphore_mem>> -> memref<!tpu.dma_semaphore, #tpu.memory_space<semaphore_mem>>
    %dma_start3A_51 = arith.constant 0 : i32
    %dma_start3A_52 = arith.constant 0 : i32
    %dma_start3A_53 = tpu.memref_slice %arg8[%dma_start3A_41, %dma_start3A_51, %dma_start3A_52] : memref<3x8x64xi32, #tpu.memory_space<vmem>> -> memref<1x8x64xi32, #tpu.memory_space<vmem>>
    %dma_start3A_54 = tpu.memref_squeeze %dma_start3A_53 : memref<1x8x64xi32, #tpu.memory_space<vmem>> -> memref<8x64xi32, #tpu.memory_space<vmem>>
    %dma_start3A_55 = arith.constant 0 : i32
    %dma_start3A_56 = tpu.memref_slice %arg2[%add3A_40, %dma_start3A_55] : memref<12800x64xi32, #tpu.memory_space<hbm>> -> memref<8x64xi32, #tpu.memory_space<hbm>>
    tpu.enqueue_dma source(%dma_start3A_56 : memref<8x64xi32, #tpu.memory_space<hbm>>) target(%dma_start3A_54 : memref<8x64xi32, #tpu.memory_space<vmem>>) target_semaphore(%dma_start3A_50 : memref<!tpu.dma_semaphore, #tpu.memory_space<semaphore_mem>>)
    %dma_wait3A = arith.constant 0 : i32
    %dma_wait3A_57 = arith.constant 0 : i32
    %dma_wait3A_58 = arith.constant 0 : i32
    %dma_wait3A_59 = arith.constant 0 : i32
    %dma_wait3A_60 = tpu.memref_slice %arg8[%dma_wait3A, %dma_wait3A_58, %dma_wait3A_59] : memref<3x8x64xi32, #tpu.memory_space<vmem>> -> memref<1x8x64xi32, #tpu.memory_space<vmem>>
    %dma_wait3A_61 = tpu.memref_squeeze %dma_wait3A_60 : memref<1x8x64xi32, #tpu.memory_space<vmem>> -> memref<8x64xi32, #tpu.memory_space<vmem>>
    %dma_wait3A_62 = arith.constant 0 : i32
    %dma_wait3A_63 = arith.constant 0 : i32
    %dma_wait3A_64 = tpu.memref_slice %arg2[%dma_wait3A_62, %dma_wait3A_63] : memref<12800x64xi32, #tpu.memory_space<hbm>> -> memref<8x64xi32, #tpu.memory_space<hbm>>
    %dma_wait3A_65 = tpu.memref_slice %arg13[%dma_wait3A_57] : memref<3x!tpu.dma_semaphore, #tpu.memory_space<semaphore_mem>> -> memref<1x!tpu.dma_semaphore, #tpu.memory_space<semaphore_mem>>
    %dma_wait3A_66 = tpu.memref_squeeze %dma_wait3A_65 : memref<1x!tpu.dma_semaphore, #tpu.memory_space<semaphore_mem>> -> memref<!tpu.dma_semaphore, #tpu.memory_space<semaphore_mem>>
    %dma_wait3A_67 = arith.constant 0 : i32
    %dma_wait3A_68 = arith.constant 0 : i32
    %dma_wait3A_69 = tpu.memref_slice %arg8[%dma_wait3A, %dma_wait3A_67, %dma_wait3A_68] : memref<3x8x64xi32, #tpu.memory_space<vmem>> -> memref<1x8x64xi32, #tpu.memory_space<vmem>>
    %dma_wait3A_70 = tpu.memref_squeeze %dma_wait3A_69 : memref<1x8x64xi32, #tpu.memory_space<vmem>> -> memref<8x64xi32, #tpu.memory_space<vmem>>
    %dma_wait3A_71 = arith.constant 0 : i32
    %dma_wait3A_72 = arith.constant 0 : i32
    %dma_wait3A_73 = tpu.memref_slice %arg2[%dma_wait3A_71, %dma_wait3A_72] : memref<12800x64xi32, #tpu.memory_space<hbm>> -> memref<8x64xi32, #tpu.memory_space<hbm>>
    tpu.wait_dma2 semaphore(%dma_wait3A_66 : memref<!tpu.dma_semaphore, #tpu.memory_space<semaphore_mem>>) src(%dma_wait3A_73 : memref<8x64xi32, #tpu.memory_space<hbm>>) dst(%dma_wait3A_70 : memref<8x64xi32, #tpu.memory_space<vmem>>)
    %dma_start3A_74 = arith.constant 0 : i32
    %dma_start3A_75 = arith.constant 0 : i32
    %dma_start3A_76 = arith.constant 0 : i32
    %dma_start3A_77 = arith.constant 0 : i32
    %dma_start3A_78 = arith.constant 0 : i32
    %dma_start3A_79 = arith.constant 0 : i32
    %dma_start3A_80 = arith.constant 0 : i32
    %dma_start3A_81 = tpu.memref_slice %arg9[%dma_start3A_76, %dma_start3A_77, %dma_start3A_79, %dma_start3A_80] : memref<3x8x64x64xf32, #tpu.memory_space<vmem>> -> memref<1x1x64x64xf32, #tpu.memory_space<vmem>>
    %dma_start3A_82 = tpu.memref_squeeze %dma_start3A_81 : memref<1x1x64x64xf32, #tpu.memory_space<vmem>> -> memref<64x64xf32, #tpu.memory_space<vmem>>
    %dma_start3A_83 = arith.constant 0 : i32
    %dma_start3A_84 = tpu.memref_slice %arg8[%dma_start3A_74, %dma_start3A_75, %dma_start3A_83] : memref<3x8x64xi32, #tpu.memory_space<vmem>> -> memref<1x1x64xi32, #tpu.memory_space<vmem>>
    %dma_start3A_85 = tpu.memref_squeeze %dma_start3A_84 : memref<1x1x64xi32, #tpu.memory_space<vmem>> -> memref<64xi32, #tpu.memory_space<vmem>>
    %dma_start3A_86 = arith.constant 0 : i32
    %dma_start3A_87 = arith.constant 0 : i32
    %dma_start3A_88 = tpu.memref_slice %arg3[%dma_start3A_86, %dma_start3A_87] : memref<1000000x64xf32, #tpu.memory_space<hbm>> -> memref<1000000x64xf32, #tpu.memory_space<hbm>>
    %dma_start3A_89 = tpu.memref_slice %arg14[%dma_start3A_78] : memref<3x!tpu.dma_semaphore, #tpu.memory_space<semaphore_mem>> -> memref<1x!tpu.dma_semaphore, #tpu.memory_space<semaphore_mem>>
    %dma_start3A_90 = tpu.memref_squeeze %dma_start3A_89 : memref<1x!tpu.dma_semaphore, #tpu.memory_space<semaphore_mem>> -> memref<!tpu.dma_semaphore, #tpu.memory_space<semaphore_mem>>
    tpu.enqueue_indirect_dma source(%dma_start3A_88 : memref<1000000x64xf32, #tpu.memory_space<hbm>>) target(%dma_start3A_82 : memref<64x64xf32, #tpu.memory_space<vmem>>) offsets(%dma_start3A_85 : memref<64xi32, #tpu.memory_space<vmem>>) semaphore(%dma_start3A_90 : memref<!tpu.dma_semaphore, #tpu.memory_space<semaphore_mem>>)
    %dma_start3A_91 = arith.constant 0 : i32
    %dma_start3A_92 = arith.constant 1 : i32
    %dma_start3A_93 = arith.constant 0 : i32
    %dma_start3A_94 = arith.constant 1 : i32
    %dma_start3A_95 = arith.constant 0 : i32
    %dma_start3A_96 = arith.constant 0 : i32
    %dma_start3A_97 = arith.constant 0 : i32
    %dma_start3A_98 = tpu.memref_slice %arg9[%dma_start3A_93, %dma_start3A_94, %dma_start3A_96, %dma_start3A_97] : memref<3x8x64x64xf32, #tpu.memory_space<vmem>> -> memref<1x1x64x64xf32, #tpu.memory_space<vmem>>
    %dma_start3A_99 = tpu.memref_squeeze %dma_start3A_98 : memref<1x1x64x64xf32, #tpu.memory_space<vmem>> -> memref<64x64xf32, #tpu.memory_space<vmem>>
    %dma_start3A_100 = arith.constant 0 : i32
    %dma_start3A_101 = tpu.memref_slice %arg8[%dma_start3A_91, %dma_start3A_92, %dma_start3A_100] : memref<3x8x64xi32, #tpu.memory_space<vmem>> -> memref<1x1x64xi32, #tpu.memory_space<vmem>>
    %dma_start3A_102 = tpu.memref_squeeze %dma_start3A_101 : memref<1x1x64xi32, #tpu.memory_space<vmem>> -> memref<64xi32, #tpu.memory_space<vmem>>
    %dma_start3A_103 = arith.constant 0 : i32
    %dma_start3A_104 = arith.constant 0 : i32
    %dma_start3A_105 = tpu.memref_slice %arg3[%dma_start3A_103, %dma_start3A_104] : memref<1000000x64xf32, #tpu.memory_space<hbm>> -> memref<1000000x64xf32, #tpu.memory_space<hbm>>
    %dma_start3A_106 = tpu.memref_slice %arg14[%dma_start3A_95] : memref<3x!tpu.dma_semaphore, #tpu.memory_space<semaphore_mem>> -> memref<1x!tpu.dma_semaphore, #tpu.memory_space<semaphore_mem>>
    %dma_start3A_107 = tpu.memref_squeeze %dma_start3A_106 : memref<1x!tpu.dma_semaphore, #tpu.memory_space<semaphore_mem>> -> memref<!tpu.dma_semaphore, #tpu.memory_space<semaphore_mem>>
    tpu.enqueue_indirect_dma source(%dma_start3A_105 : memref<1000000x64xf32, #tpu.memory_space<hbm>>) target(%dma_start3A_99 : memref<64x64xf32, #tpu.memory_space<vmem>>) offsets(%dma_start3A_102 : memref<64xi32, #tpu.memory_space<vmem>>) semaphore(%dma_start3A_107 : memref<!tpu.dma_semaphore, #tpu.memory_space<semaphore_mem>>)
    %dma_start3A_108 = arith.constant 0 : i32
    %dma_start3A_109 = arith.constant 2 : i32
    %dma_start3A_110 = arith.constant 0 : i32
    %dma_start3A_111 = arith.constant 2 : i32
    %dma_start3A_112 = arith.constant 0 : i32
    %dma_start3A_113 = arith.constant 0 : i32
    %dma_start3A_114 = arith.constant 0 : i32
    %dma_start3A_115 = tpu.memref_slice %arg9[%dma_start3A_110, %dma_start3A_111, %dma_start3A_113, %dma_start3A_114] : memref<3x8x64x64xf32, #tpu.memory_space<vmem>> -> memref<1x1x64x64xf32, #tpu.memory_space<vmem>>
    %dma_start3A_116 = tpu.memref_squeeze %dma_start3A_115 : memref<1x1x64x64xf32, #tpu.memory_space<vmem>> -> memref<64x64xf32, #tpu.memory_space<vmem>>
    %dma_start3A_117 = arith.constant 0 : i32
    %dma_start3A_118 = tpu.memref_slice %arg8[%dma_start3A_108, %dma_start3A_109, %dma_start3A_117] : memref<3x8x64xi32, #tpu.memory_space<vmem>> -> memref<1x1x64xi32, #tpu.memory_space<vmem>>
    %dma_start3A_119 = tpu.memref_squeeze %dma_start3A_118 : memref<1x1x64xi32, #tpu.memory_space<vmem>> -> memref<64xi32, #tpu.memory_space<vmem>>
    %dma_start3A_120 = arith.constant 0 : i32
    %dma_start3A_121 = arith.constant 0 : i32
    %dma_start3A_122 = tpu.memref_slice %arg3[%dma_start3A_120, %dma_start3A_121] : memref<1000000x64xf32, #tpu.memory_space<hbm>> -> memref<1000000x64xf32, #tpu.memory_space<hbm>>
    %dma_start3A_123 = tpu.memref_slice %arg14[%dma_start3A_112] : memref<3x!tpu.dma_semaphore, #tpu.memory_space<semaphore_mem>> -> memref<1x!tpu.dma_semaphore, #tpu.memory_space<semaphore_mem>>
    %dma_start3A_124 = tpu.memref_squeeze %dma_start3A_123 : memref<1x!tpu.dma_semaphore, #tpu.memory_space<semaphore_mem>> -> memref<!tpu.dma_semaphore, #tpu.memory_space<semaphore_mem>>
    tpu.enqueue_indirect_dma source(%dma_start3A_122 : memref<1000000x64xf32, #tpu.memory_space<hbm>>) target(%dma_start3A_116 : memref<64x64xf32, #tpu.memory_space<vmem>>) offsets(%dma_start3A_119 : memref<64xi32, #tpu.memory_space<vmem>>) semaphore(%dma_start3A_124 : memref<!tpu.dma_semaphore, #tpu.memory_space<semaphore_mem>>)
    %dma_start3A_125 = arith.constant 0 : i32
    %dma_start3A_126 = arith.constant 3 : i32
    %dma_start3A_127 = arith.constant 0 : i32
    %dma_start3A_128 = arith.constant 3 : i32
    %dma_start3A_129 = arith.constant 0 : i32
    %dma_start3A_130 = arith.constant 0 : i32
    %dma_start3A_131 = arith.constant 0 : i32
    %dma_start3A_132 = tpu.memref_slice %arg9[%dma_start3A_127, %dma_start3A_128, %dma_start3A_130, %dma_start3A_131] : memref<3x8x64x64xf32, #tpu.memory_space<vmem>> -> memref<1x1x64x64xf32, #tpu.memory_space<vmem>>
    %dma_start3A_133 = tpu.memref_squeeze %dma_start3A_132 : memref<1x1x64x64xf32, #tpu.memory_space<vmem>> -> memref<64x64xf32, #tpu.memory_space<vmem>>
    %dma_start3A_134 = arith.constant 0 : i32
    %dma_start3A_135 = tpu.memref_slice %arg8[%dma_start3A_125, %dma_start3A_126, %dma_start3A_134] : memref<3x8x64xi32, #tpu.memory_space<vmem>> -> memref<1x1x64xi32, #tpu.memory_space<vmem>>
    %dma_start3A_136 = tpu.memref_squeeze %dma_start3A_135 : memref<1x1x64xi32, #tpu.memory_space<vmem>> -> memref<64xi32, #tpu.memory_space<vmem>>
    %dma_start3A_137 = arith.constant 0 : i32
    %dma_start3A_138 = arith.constant 0 : i32
    %dma_start3A_139 = tpu.memref_slice %arg3[%dma_start3A_137, %dma_start3A_138] : memref<1000000x64xf32, #tpu.memory_space<hbm>> -> memref<1000000x64xf32, #tpu.memory_space<hbm>>
    %dma_start3A_140 = tpu.memref_slice %arg14[%dma_start3A_129] : memref<3x!tpu.dma_semaphore, #tpu.memory_space<semaphore_mem>> -> memref<1x!tpu.dma_semaphore, #tpu.memory_space<semaphore_mem>>
    %dma_start3A_141 = tpu.memref_squeeze %dma_start3A_140 : memref<1x!tpu.dma_semaphore, #tpu.memory_space<semaphore_mem>> -> memref<!tpu.dma_semaphore, #tpu.memory_space<semaphore_mem>>
    tpu.enqueue_indirect_dma source(%dma_start3A_139 : memref<1000000x64xf32, #tpu.memory_space<hbm>>) target(%dma_start3A_133 : memref<64x64xf32, #tpu.memory_space<vmem>>) offsets(%dma_start3A_136 : memref<64xi32, #tpu.memory_space<vmem>>) semaphore(%dma_start3A_141 : memref<!tpu.dma_semaphore, #tpu.memory_space<semaphore_mem>>)
    %dma_start3A_142 = arith.constant 0 : i32
    %dma_start3A_143 = arith.constant 4 : i32
    %dma_start3A_144 = arith.constant 0 : i32
    %dma_start3A_145 = arith.constant 4 : i32
    %dma_start3A_146 = arith.constant 0 : i32
    %dma_start3A_147 = arith.constant 0 : i32
    %dma_start3A_148 = arith.constant 0 : i32
    %dma_start3A_149 = tpu.memref_slice %arg9[%dma_start3A_144, %dma_start3A_145, %dma_start3A_147, %dma_start3A_148] : memref<3x8x64x64xf32, #tpu.memory_space<vmem>> -> memref<1x1x64x64xf32, #tpu.memory_space<vmem>>
    %dma_start3A_150 = tpu.memref_squeeze %dma_start3A_149 : memref<1x1x64x64xf32, #tpu.memory_space<vmem>> -> memref<64x64xf32, #tpu.memory_space<vmem>>
    %dma_start3A_151 = arith.constant 0 : i32
    %dma_start3A_152 = tpu.memref_slice %arg8[%dma_start3A_142, %dma_start3A_143, %dma_start3A_151] : memref<3x8x64xi32, #tpu.memory_space<vmem>> -> memref<1x1x64xi32, #tpu.memory_space<vmem>>
    %dma_start3A_153 = tpu.memref_squeeze %dma_start3A_152 : memref<1x1x64xi32, #tpu.memory_space<vmem>> -> memref<64xi32, #tpu.memory_space<vmem>>
    %dma_start3A_154 = arith.constant 0 : i32
    %dma_start3A_155 = arith.constant 0 : i32
    %dma_start3A_156 = tpu.memref_slice %arg3[%dma_start3A_154, %dma_start3A_155] : memref<1000000x64xf32, #tpu.memory_space<hbm>> -> memref<1000000x64xf32, #tpu.memory_space<hbm>>
    %dma_start3A_157 = tpu.memref_slice %arg14[%dma_start3A_146] : memref<3x!tpu.dma_semaphore, #tpu.memory_space<semaphore_mem>> -> memref<1x!tpu.dma_semaphore, #tpu.memory_space<semaphore_mem>>
    %dma_start3A_158 = tpu.memref_squeeze %dma_start3A_157 : memref<1x!tpu.dma_semaphore, #tpu.memory_space<semaphore_mem>> -> memref<!tpu.dma_semaphore, #tpu.memory_space<semaphore_mem>>
    tpu.enqueue_indirect_dma source(%dma_start3A_156 : memref<1000000x64xf32, #tpu.memory_space<hbm>>) target(%dma_start3A_150 : memref<64x64xf32, #tpu.memory_space<vmem>>) offsets(%dma_start3A_153 : memref<64xi32, #tpu.memory_space<vmem>>) semaphore(%dma_start3A_158 : memref<!tpu.dma_semaphore, #tpu.memory_space<semaphore_mem>>)
    %dma_start3A_159 = arith.constant 0 : i32
    %dma_start3A_160 = arith.constant 5 : i32
    %dma_start3A_161 = arith.constant 0 : i32
    %dma_start3A_162 = arith.constant 5 : i32
    %dma_start3A_163 = arith.constant 0 : i32
    %dma_start3A_164 = arith.constant 0 : i32
    %dma_start3A_165 = arith.constant 0 : i32
    %dma_start3A_166 = tpu.memref_slice %arg9[%dma_start3A_161, %dma_start3A_162, %dma_start3A_164, %dma_start3A_165] : memref<3x8x64x64xf32, #tpu.memory_space<vmem>> -> memref<1x1x64x64xf32, #tpu.memory_space<vmem>>
    %dma_start3A_167 = tpu.memref_squeeze %dma_start3A_166 : memref<1x1x64x64xf32, #tpu.memory_space<vmem>> -> memref<64x64xf32, #tpu.memory_space<vmem>>
    %dma_start3A_168 = arith.constant 0 : i32
    %dma_start3A_169 = tpu.memref_slice %arg8[%dma_start3A_159, %dma_start3A_160, %dma_start3A_168] : memref<3x8x64xi32, #tpu.memory_space<vmem>> -> memref<1x1x64xi32, #tpu.memory_space<vmem>>
    %dma_start3A_170 = tpu.memref_squeeze %dma_start3A_169 : memref<1x1x64xi32, #tpu.memory_space<vmem>> -> memref<64xi32, #tpu.memory_space<vmem>>
    %dma_start3A_171 = arith.constant 0 : i32
    %dma_start3A_172 = arith.constant 0 : i32
    %dma_start3A_173 = tpu.memref_slice %arg3[%dma_start3A_171, %dma_start3A_172] : memref<1000000x64xf32, #tpu.memory_space<hbm>> -> memref<1000000x64xf32, #tpu.memory_space<hbm>>
    %dma_start3A_174 = tpu.memref_slice %arg14[%dma_start3A_163] : memref<3x!tpu.dma_semaphore, #tpu.memory_space<semaphore_mem>> -> memref<1x!tpu.dma_semaphore, #tpu.memory_space<semaphore_mem>>
    %dma_start3A_175 = tpu.memref_squeeze %dma_start3A_174 : memref<1x!tpu.dma_semaphore, #tpu.memory_space<semaphore_mem>> -> memref<!tpu.dma_semaphore, #tpu.memory_space<semaphore_mem>>
    tpu.enqueue_indirect_dma source(%dma_start3A_173 : memref<1000000x64xf32, #tpu.memory_space<hbm>>) target(%dma_start3A_167 : memref<64x64xf32, #tpu.memory_space<vmem>>) offsets(%dma_start3A_170 : memref<64xi32, #tpu.memory_space<vmem>>) semaphore(%dma_start3A_175 : memref<!tpu.dma_semaphore, #tpu.memory_space<semaphore_mem>>)
    %dma_start3A_176 = arith.constant 0 : i32
    %dma_start3A_177 = arith.constant 6 : i32
    %dma_start3A_178 = arith.constant 0 : i32
    %dma_start3A_179 = arith.constant 6 : i32
    %dma_start3A_180 = arith.constant 0 : i32
    %dma_start3A_181 = arith.constant 0 : i32
    %dma_start3A_182 = arith.constant 0 : i32
    %dma_start3A_183 = tpu.memref_slice %arg9[%dma_start3A_178, %dma_start3A_179, %dma_start3A_181, %dma_start3A_182] : memref<3x8x64x64xf32, #tpu.memory_space<vmem>> -> memref<1x1x64x64xf32, #tpu.memory_space<vmem>>
    %dma_start3A_184 = tpu.memref_squeeze %dma_start3A_183 : memref<1x1x64x64xf32, #tpu.memory_space<vmem>> -> memref<64x64xf32, #tpu.memory_space<vmem>>
    %dma_start3A_185 = arith.constant 0 : i32
    %dma_start3A_186 = tpu.memref_slice %arg8[%dma_start3A_176, %dma_start3A_177, %dma_start3A_185] : memref<3x8x64xi32, #tpu.memory_space<vmem>> -> memref<1x1x64xi32, #tpu.memory_space<vmem>>
    %dma_start3A_187 = tpu.memref_squeeze %dma_start3A_186 : memref<1x1x64xi32, #tpu.memory_space<vmem>> -> memref<64xi32, #tpu.memory_space<vmem>>
    %dma_start3A_188 = arith.constant 0 : i32
    %dma_start3A_189 = arith.constant 0 : i32
    %dma_start3A_190 = tpu.memref_slice %arg3[%dma_start3A_188, %dma_start3A_189] : memref<1000000x64xf32, #tpu.memory_space<hbm>> -> memref<1000000x64xf32, #tpu.memory_space<hbm>>
    %dma_start3A_191 = tpu.memref_slice %arg14[%dma_start3A_180] : memref<3x!tpu.dma_semaphore, #tpu.memory_space<semaphore_mem>> -> memref<1x!tpu.dma_semaphore, #tpu.memory_space<semaphore_mem>>
    %dma_start3A_192 = tpu.memref_squeeze %dma_start3A_191 : memref<1x!tpu.dma_semaphore, #tpu.memory_space<semaphore_mem>> -> memref<!tpu.dma_semaphore, #tpu.memory_space<semaphore_mem>>
    tpu.enqueue_indirect_dma source(%dma_start3A_190 : memref<1000000x64xf32, #tpu.memory_space<hbm>>) target(%dma_start3A_184 : memref<64x64xf32, #tpu.memory_space<vmem>>) offsets(%dma_start3A_187 : memref<64xi32, #tpu.memory_space<vmem>>) semaphore(%dma_start3A_192 : memref<!tpu.dma_semaphore, #tpu.memory_space<semaphore_mem>>)
    %dma_start3A_193 = arith.constant 0 : i32
    %dma_start3A_194 = arith.constant 7 : i32
    %dma_start3A_195 = arith.constant 0 : i32
    %dma_start3A_196 = arith.constant 7 : i32
    %dma_start3A_197 = arith.constant 0 : i32
    %dma_start3A_198 = arith.constant 0 : i32
    %dma_start3A_199 = arith.constant 0 : i32
    %dma_start3A_200 = tpu.memref_slice %arg9[%dma_start3A_195, %dma_start3A_196, %dma_start3A_198, %dma_start3A_199] : memref<3x8x64x64xf32, #tpu.memory_space<vmem>> -> memref<1x1x64x64xf32, #tpu.memory_space<vmem>>
    %dma_start3A_201 = tpu.memref_squeeze %dma_start3A_200 : memref<1x1x64x64xf32, #tpu.memory_space<vmem>> -> memref<64x64xf32, #tpu.memory_space<vmem>>
    %dma_start3A_202 = arith.constant 0 : i32
    %dma_start3A_203 = tpu.memref_slice %arg8[%dma_start3A_193, %dma_start3A_194, %dma_start3A_202] : memref<3x8x64xi32, #tpu.memory_space<vmem>> -> memref<1x1x64xi32, #tpu.memory_space<vmem>>
    %dma_start3A_204 = tpu.memref_squeeze %dma_start3A_203 : memref<1x1x64xi32, #tpu.memory_space<vmem>> -> memref<64xi32, #tpu.memory_space<vmem>>
    %dma_start3A_205 = arith.constant 0 : i32
    %dma_start3A_206 = arith.constant 0 : i32
    %dma_start3A_207 = tpu.memref_slice %arg3[%dma_start3A_205, %dma_start3A_206] : memref<1000000x64xf32, #tpu.memory_space<hbm>> -> memref<1000000x64xf32, #tpu.memory_space<hbm>>
    %dma_start3A_208 = tpu.memref_slice %arg14[%dma_start3A_197] : memref<3x!tpu.dma_semaphore, #tpu.memory_space<semaphore_mem>> -> memref<1x!tpu.dma_semaphore, #tpu.memory_space<semaphore_mem>>
    %dma_start3A_209 = tpu.memref_squeeze %dma_start3A_208 : memref<1x!tpu.dma_semaphore, #tpu.memory_space<semaphore_mem>> -> memref<!tpu.dma_semaphore, #tpu.memory_space<semaphore_mem>>
    tpu.enqueue_indirect_dma source(%dma_start3A_207 : memref<1000000x64xf32, #tpu.memory_space<hbm>>) target(%dma_start3A_201 : memref<64x64xf32, #tpu.memory_space<vmem>>) offsets(%dma_start3A_204 : memref<64xi32, #tpu.memory_space<vmem>>) semaphore(%dma_start3A_209 : memref<!tpu.dma_semaphore, #tpu.memory_space<semaphore_mem>>)
    %scan3A = arith.constant 0 : i32
    %scan3A_210 = arith.constant 0 : i32
    %scan3A_211 = arith.constant 50 : i32
    %scan3A_212 = arith.addi %scan3A_210, %scan3A_211 : i32
    %scan3A_213 = arith.constant 1 : i32
    scf.for %scan3A_281 = %scan3A_210 to %scan3A_212 step %scan3A_213  : i32 {
      %rem3A = arith.constant 3 : i32
      %rem3A_282 = arith.remsi %scan3A_281, %rem3A : i32
      %add3A_283 = arith.constant 1 : i32
      %add3A_284 = arith.addi %scan3A_281, %add3A_283 : i32
      %rem3A_285 = arith.constant 3 : i32
      %rem3A_286 = arith.remsi %add3A_284, %rem3A_285 : i32
      %add3A_287 = arith.constant 2 : i32
      %add3A_288 = arith.addi %scan3A_281, %add3A_287 : i32
      %rem3A_289 = arith.constant 3 : i32
      %rem3A_290 = arith.remsi %add3A_288, %rem3A_289 : i32
      %lt3A = arith.constant 48 : i32
      %lt3A_291 = arith.cmpi slt, %scan3A_281, %lt3A : i32
      %convert_element_type3A = arith.extui %lt3A_291 : i1 to i32
      %cond3A = arith.constant 0 : i32
      %cond3A_292 = arith.cmpi ne, %convert_element_type3A, %cond3A : i32
      scf.if %cond3A_292 {
        %add3A_467 = arith.constant 2 : i32
        %add3A_468 = arith.addi %scan3A_281, %add3A_467 : i32
        %mul3A_469 = arith.constant 8 : i32
        %mul3A_470 = arith.muli %add3A_468, %mul3A_469 : i32
        %add3A_471 = arith.addi %mul3A_2, %mul3A_470 : i32
        %dma_start3A_472 = arith.constant 0 : i32
        %dma_start3A_473 = arith.constant 0 : i32
        %dma_start3A_474 = tpu.memref_slice %arg8[%rem3A_290, %dma_start3A_472, %dma_start3A_473] : memref<3x8x64xi32, #tpu.memory_space<vmem>> -> memref<1x8x64xi32, #tpu.memory_space<vmem>>
        %dma_start3A_475 = tpu.memref_squeeze %dma_start3A_474 : memref<1x8x64xi32, #tpu.memory_space<vmem>> -> memref<8x64xi32, #tpu.memory_space<vmem>>
        %dma_start3A_476 = arith.constant 0 : i32
        %dma_start3A_477 = tpu.memref_slice %arg2[%add3A_471, %dma_start3A_476] : memref<12800x64xi32, #tpu.memory_space<hbm>> -> memref<8x64xi32, #tpu.memory_space<hbm>>
        %dma_start3A_478 = tpu.memref_slice %arg13[%rem3A_290] : memref<3x!tpu.dma_semaphore, #tpu.memory_space<semaphore_mem>> -> memref<1x!tpu.dma_semaphore, #tpu.memory_space<semaphore_mem>>
        %dma_start3A_479 = tpu.memref_squeeze %dma_start3A_478 : memref<1x!tpu.dma_semaphore, #tpu.memory_space<semaphore_mem>> -> memref<!tpu.dma_semaphore, #tpu.memory_space<semaphore_mem>>
        %dma_start3A_480 = arith.constant 0 : i32
        %dma_start3A_481 = arith.constant 0 : i32
        %dma_start3A_482 = tpu.memref_slice %arg8[%rem3A_290, %dma_start3A_480, %dma_start3A_481] : memref<3x8x64xi32, #tpu.memory_space<vmem>> -> memref<1x8x64xi32, #tpu.memory_space<vmem>>
        %dma_start3A_483 = tpu.memref_squeeze %dma_start3A_482 : memref<1x8x64xi32, #tpu.memory_space<vmem>> -> memref<8x64xi32, #tpu.memory_space<vmem>>
        %dma_start3A_484 = arith.constant 0 : i32
        %dma_start3A_485 = tpu.memref_slice %arg2[%add3A_471, %dma_start3A_484] : memref<12800x64xi32, #tpu.memory_space<hbm>> -> memref<8x64xi32, #tpu.memory_space<hbm>>
        tpu.enqueue_dma source(%dma_start3A_485 : memref<8x64xi32, #tpu.memory_space<hbm>>) target(%dma_start3A_483 : memref<8x64xi32, #tpu.memory_space<vmem>>) target_semaphore(%dma_start3A_479 : memref<!tpu.dma_semaphore, #tpu.memory_space<semaphore_mem>>)
      } else {
      }
      %lt3A_293 = arith.constant 49 : i32
      %lt3A_294 = arith.cmpi slt, %scan3A_281, %lt3A_293 : i32
      %convert_element_type3A_295 = arith.extui %lt3A_294 : i1 to i32
      %cond3A_296 = arith.constant 0 : i32
      %cond3A_297 = arith.cmpi ne, %convert_element_type3A_295, %cond3A_296 : i32
      scf.if %cond3A_297 {
        %dma_wait3A_467 = arith.constant 0 : i32
        %dma_wait3A_468 = arith.constant 0 : i32
        %dma_wait3A_469 = tpu.memref_slice %arg8[%rem3A_286, %dma_wait3A_467, %dma_wait3A_468] : memref<3x8x64xi32, #tpu.memory_space<vmem>> -> memref<1x8x64xi32, #tpu.memory_space<vmem>>
        %dma_wait3A_470 = tpu.memref_squeeze %dma_wait3A_469 : memref<1x8x64xi32, #tpu.memory_space<vmem>> -> memref<8x64xi32, #tpu.memory_space<vmem>>
        %dma_wait3A_471 = arith.constant 0 : i32
        %dma_wait3A_472 = arith.constant 0 : i32
        %dma_wait3A_473 = tpu.memref_slice %arg2[%dma_wait3A_471, %dma_wait3A_472] : memref<12800x64xi32, #tpu.memory_space<hbm>> -> memref<8x64xi32, #tpu.memory_space<hbm>>
        %dma_wait3A_474 = tpu.memref_slice %arg13[%rem3A_286] : memref<3x!tpu.dma_semaphore, #tpu.memory_space<semaphore_mem>> -> memref<1x!tpu.dma_semaphore, #tpu.memory_space<semaphore_mem>>
        %dma_wait3A_475 = tpu.memref_squeeze %dma_wait3A_474 : memref<1x!tpu.dma_semaphore, #tpu.memory_space<semaphore_mem>> -> memref<!tpu.dma_semaphore, #tpu.memory_space<semaphore_mem>>
        %dma_wait3A_476 = arith.constant 0 : i32
        %dma_wait3A_477 = arith.constant 0 : i32
        %dma_wait3A_478 = tpu.memref_slice %arg8[%rem3A_286, %dma_wait3A_476, %dma_wait3A_477] : memref<3x8x64xi32, #tpu.memory_space<vmem>> -> memref<1x8x64xi32, #tpu.memory_space<vmem>>
        %dma_wait3A_479 = tpu.memref_squeeze %dma_wait3A_478 : memref<1x8x64xi32, #tpu.memory_space<vmem>> -> memref<8x64xi32, #tpu.memory_space<vmem>>
        %dma_wait3A_480 = arith.constant 0 : i32
        %dma_wait3A_481 = arith.constant 0 : i32
        %dma_wait3A_482 = tpu.memref_slice %arg2[%dma_wait3A_480, %dma_wait3A_481] : memref<12800x64xi32, #tpu.memory_space<hbm>> -> memref<8x64xi32, #tpu.memory_space<hbm>>
        tpu.wait_dma2 semaphore(%dma_wait3A_475 : memref<!tpu.dma_semaphore, #tpu.memory_space<semaphore_mem>>) src(%dma_wait3A_482 : memref<8x64xi32, #tpu.memory_space<hbm>>) dst(%dma_wait3A_479 : memref<8x64xi32, #tpu.memory_space<vmem>>)
      } else {
      }
      %ge3A = arith.constant 2 : i32
      %ge3A_298 = arith.cmpi sge, %scan3A_281, %ge3A : i32
      %lt3A_299 = arith.constant 49 : i32
      %lt3A_300 = arith.cmpi slt, %scan3A_281, %lt3A_299 : i32
      %and3A = arith.andi %ge3A_298, %lt3A_300 : i1
      %convert_element_type3A_301 = arith.extui %and3A : i1 to i32
      %cond3A_302 = arith.constant 0 : i32
      %cond3A_303 = arith.cmpi ne, %convert_element_type3A_301, %cond3A_302 : i32
      scf.if %cond3A_303 {
        %dma_wait3A_467 = arith.constant 0 : i32
        %dma_wait3A_468 = arith.constant 0 : i32
        %dma_wait3A_469 = arith.constant 0 : i32
        %dma_wait3A_470 = tpu.memref_slice %arg9[%rem3A_286, %dma_wait3A_467, %dma_wait3A_468, %dma_wait3A_469] : memref<3x8x64x64xf32, #tpu.memory_space<vmem>> -> memref<1x8x64x64xf32, #tpu.memory_space<vmem>>
        %dma_wait3A_471 = tpu.memref_squeeze %dma_wait3A_470 : memref<1x8x64x64xf32, #tpu.memory_space<vmem>> -> memref<8x64x64xf32, #tpu.memory_space<vmem>>
        %dma_wait3A_472 = arith.constant 0 : i32
        %dma_wait3A_473 = arith.constant 0 : i32
        %dma_wait3A_474 = arith.constant 0 : i32
        %dma_wait3A_475 = tpu.memref_slice %arg7[%dma_wait3A_472, %dma_wait3A_473, %dma_wait3A_474] : memref<12800x64x64xf32, #tpu.memory_space<hbm>> -> memref<8x64x64xf32, #tpu.memory_space<hbm>>
        %dma_wait3A_476 = tpu.memref_slice %arg15[%rem3A_286] : memref<3x!tpu.dma_semaphore, #tpu.memory_space<semaphore_mem>> -> memref<1x!tpu.dma_semaphore, #tpu.memory_space<semaphore_mem>>
        %dma_wait3A_477 = tpu.memref_squeeze %dma_wait3A_476 : memref<1x!tpu.dma_semaphore, #tpu.memory_space<semaphore_mem>> -> memref<!tpu.dma_semaphore, #tpu.memory_space<semaphore_mem>>
        %dma_wait3A_478 = arith.constant 0 : i32
        %dma_wait3A_479 = arith.constant 0 : i32
        %dma_wait3A_480 = arith.constant 0 : i32
        %dma_wait3A_481 = tpu.memref_slice %arg7[%dma_wait3A_478, %dma_wait3A_479, %dma_wait3A_480] : memref<12800x64x64xf32, #tpu.memory_space<hbm>> -> memref<8x64x64xf32, #tpu.memory_space<hbm>>
        %dma_wait3A_482 = arith.constant 0 : i32
        %dma_wait3A_483 = arith.constant 0 : i32
        %dma_wait3A_484 = arith.constant 0 : i32
        %dma_wait3A_485 = tpu.memref_slice %arg9[%rem3A_286, %dma_wait3A_482, %dma_wait3A_483, %dma_wait3A_484] : memref<3x8x64x64xf32, #tpu.memory_space<vmem>> -> memref<1x8x64x64xf32, #tpu.memory_space<vmem>>
        %dma_wait3A_486 = tpu.memref_squeeze %dma_wait3A_485 : memref<1x8x64x64xf32, #tpu.memory_space<vmem>> -> memref<8x64x64xf32, #tpu.memory_space<vmem>>
        tpu.wait_dma2 semaphore(%dma_wait3A_477 : memref<!tpu.dma_semaphore, #tpu.memory_space<semaphore_mem>>) src(%dma_wait3A_486 : memref<8x64x64xf32, #tpu.memory_space<vmem>>) dst(%dma_wait3A_481 : memref<8x64x64xf32, #tpu.memory_space<hbm>>)
      } else {
      }
      %lt3A_304 = arith.constant 49 : i32
      %lt3A_305 = arith.cmpi slt, %scan3A_281, %lt3A_304 : i32
      %convert_element_type3A_306 = arith.extui %lt3A_305 : i1 to i32
      %cond3A_307 = arith.constant 0 : i32
      %cond3A_308 = arith.cmpi ne, %convert_element_type3A_306, %cond3A_307 : i32
      scf.if %cond3A_308 {
        %dma_start3A_467 = arith.constant 0 : i32
        %dma_start3A_468 = arith.constant 0 : i32
        %dma_start3A_469 = arith.constant 0 : i32
        %dma_start3A_470 = arith.constant 0 : i32
        %dma_start3A_471 = tpu.memref_slice %arg9[%rem3A_286, %dma_start3A_468, %dma_start3A_469, %dma_start3A_470] : memref<3x8x64x64xf32, #tpu.memory_space<vmem>> -> memref<1x1x64x64xf32, #tpu.memory_space<vmem>>
        %dma_start3A_472 = tpu.memref_squeeze %dma_start3A_471 : memref<1x1x64x64xf32, #tpu.memory_space<vmem>> -> memref<64x64xf32, #tpu.memory_space<vmem>>
        %dma_start3A_473 = arith.constant 0 : i32
        %dma_start3A_474 = tpu.memref_slice %arg8[%rem3A_286, %dma_start3A_467, %dma_start3A_473] : memref<3x8x64xi32, #tpu.memory_space<vmem>> -> memref<1x1x64xi32, #tpu.memory_space<vmem>>
        %dma_start3A_475 = tpu.memref_squeeze %dma_start3A_474 : memref<1x1x64xi32, #tpu.memory_space<vmem>> -> memref<64xi32, #tpu.memory_space<vmem>>
        %dma_start3A_476 = arith.constant 0 : i32
        %dma_start3A_477 = arith.constant 0 : i32
        %dma_start3A_478 = tpu.memref_slice %arg3[%dma_start3A_476, %dma_start3A_477] : memref<1000000x64xf32, #tpu.memory_space<hbm>> -> memref<1000000x64xf32, #tpu.memory_space<hbm>>
        %dma_start3A_479 = tpu.memref_slice %arg14[%rem3A_286] : memref<3x!tpu.dma_semaphore, #tpu.memory_space<semaphore_mem>> -> memref<1x!tpu.dma_semaphore, #tpu.memory_space<semaphore_mem>>
        %dma_start3A_480 = tpu.memref_squeeze %dma_start3A_479 : memref<1x!tpu.dma_semaphore, #tpu.memory_space<semaphore_mem>> -> memref<!tpu.dma_semaphore, #tpu.memory_space<semaphore_mem>>
        tpu.enqueue_indirect_dma source(%dma_start3A_478 : memref<1000000x64xf32, #tpu.memory_space<hbm>>) target(%dma_start3A_472 : memref<64x64xf32, #tpu.memory_space<vmem>>) offsets(%dma_start3A_475 : memref<64xi32, #tpu.memory_space<vmem>>) semaphore(%dma_start3A_480 : memref<!tpu.dma_semaphore, #tpu.memory_space<semaphore_mem>>)
        %dma_start3A_481 = arith.constant 1 : i32
        %dma_start3A_482 = arith.constant 1 : i32
        %dma_start3A_483 = arith.constant 0 : i32
        %dma_start3A_484 = arith.constant 0 : i32
        %dma_start3A_485 = tpu.memref_slice %arg9[%rem3A_286, %dma_start3A_482, %dma_start3A_483, %dma_start3A_484] : memref<3x8x64x64xf32, #tpu.memory_space<vmem>> -> memref<1x1x64x64xf32, #tpu.memory_space<vmem>>
        %dma_start3A_486 = tpu.memref_squeeze %dma_start3A_485 : memref<1x1x64x64xf32, #tpu.memory_space<vmem>> -> memref<64x64xf32, #tpu.memory_space<vmem>>
        %dma_start3A_487 = arith.constant 0 : i32
        %dma_start3A_488 = tpu.memref_slice %arg8[%rem3A_286, %dma_start3A_481, %dma_start3A_487] : memref<3x8x64xi32, #tpu.memory_space<vmem>> -> memref<1x1x64xi32, #tpu.memory_space<vmem>>
        %dma_start3A_489 = tpu.memref_squeeze %dma_start3A_488 : memref<1x1x64xi32, #tpu.memory_space<vmem>> -> memref<64xi32, #tpu.memory_space<vmem>>
        %dma_start3A_490 = arith.constant 0 : i32
        %dma_start3A_491 = arith.constant 0 : i32
        %dma_start3A_492 = tpu.memref_slice %arg3[%dma_start3A_490, %dma_start3A_491] : memref<1000000x64xf32, #tpu.memory_space<hbm>> -> memref<1000000x64xf32, #tpu.memory_space<hbm>>
        %dma_start3A_493 = tpu.memref_slice %arg14[%rem3A_286] : memref<3x!tpu.dma_semaphore, #tpu.memory_space<semaphore_mem>> -> memref<1x!tpu.dma_semaphore, #tpu.memory_space<semaphore_mem>>
        %dma_start3A_494 = tpu.memref_squeeze %dma_start3A_493 : memref<1x!tpu.dma_semaphore, #tpu.memory_space<semaphore_mem>> -> memref<!tpu.dma_semaphore, #tpu.memory_space<semaphore_mem>>
        tpu.enqueue_indirect_dma source(%dma_start3A_492 : memref<1000000x64xf32, #tpu.memory_space<hbm>>) target(%dma_start3A_486 : memref<64x64xf32, #tpu.memory_space<vmem>>) offsets(%dma_start3A_489 : memref<64xi32, #tpu.memory_space<vmem>>) semaphore(%dma_start3A_494 : memref<!tpu.dma_semaphore, #tpu.memory_space<semaphore_mem>>)
        %dma_start3A_495 = arith.constant 2 : i32
        %dma_start3A_496 = arith.constant 2 : i32
        %dma_start3A_497 = arith.constant 0 : i32
        %dma_start3A_498 = arith.constant 0 : i32
        %dma_start3A_499 = tpu.memref_slice %arg9[%rem3A_286, %dma_start3A_496, %dma_start3A_497, %dma_start3A_498] : memref<3x8x64x64xf32, #tpu.memory_space<vmem>> -> memref<1x1x64x64xf32, #tpu.memory_space<vmem>>
        %dma_start3A_500 = tpu.memref_squeeze %dma_start3A_499 : memref<1x1x64x64xf32, #tpu.memory_space<vmem>> -> memref<64x64xf32, #tpu.memory_space<vmem>>
        %dma_start3A_501 = arith.constant 0 : i32
        %dma_start3A_502 = tpu.memref_slice %arg8[%rem3A_286, %dma_start3A_495, %dma_start3A_501] : memref<3x8x64xi32, #tpu.memory_space<vmem>> -> memref<1x1x64xi32, #tpu.memory_space<vmem>>
        %dma_start3A_503 = tpu.memref_squeeze %dma_start3A_502 : memref<1x1x64xi32, #tpu.memory_space<vmem>> -> memref<64xi32, #tpu.memory_space<vmem>>
        %dma_start3A_504 = arith.constant 0 : i32
        %dma_start3A_505 = arith.constant 0 : i32
        %dma_start3A_506 = tpu.memref_slice %arg3[%dma_start3A_504, %dma_start3A_505] : memref<1000000x64xf32, #tpu.memory_space<hbm>> -> memref<1000000x64xf32, #tpu.memory_space<hbm>>
        %dma_start3A_507 = tpu.memref_slice %arg14[%rem3A_286] : memref<3x!tpu.dma_semaphore, #tpu.memory_space<semaphore_mem>> -> memref<1x!tpu.dma_semaphore, #tpu.memory_space<semaphore_mem>>
        %dma_start3A_508 = tpu.memref_squeeze %dma_start3A_507 : memref<1x!tpu.dma_semaphore, #tpu.memory_space<semaphore_mem>> -> memref<!tpu.dma_semaphore, #tpu.memory_space<semaphore_mem>>
        tpu.enqueue_indirect_dma source(%dma_start3A_506 : memref<1000000x64xf32, #tpu.memory_space<hbm>>) target(%dma_start3A_500 : memref<64x64xf32, #tpu.memory_space<vmem>>) offsets(%dma_start3A_503 : memref<64xi32, #tpu.memory_space<vmem>>) semaphore(%dma_start3A_508 : memref<!tpu.dma_semaphore, #tpu.memory_space<semaphore_mem>>)
        %dma_start3A_509 = arith.constant 3 : i32
        %dma_start3A_510 = arith.constant 3 : i32
        %dma_start3A_511 = arith.constant 0 : i32
        %dma_start3A_512 = arith.constant 0 : i32
        %dma_start3A_513 = tpu.memref_slice %arg9[%rem3A_286, %dma_start3A_510, %dma_start3A_511, %dma_start3A_512] : memref<3x8x64x64xf32, #tpu.memory_space<vmem>> -> memref<1x1x64x64xf32, #tpu.memory_space<vmem>>
        %dma_start3A_514 = tpu.memref_squeeze %dma_start3A_513 : memref<1x1x64x64xf32, #tpu.memory_space<vmem>> -> memref<64x64xf32, #tpu.memory_space<vmem>>
        %dma_start3A_515 = arith.constant 0 : i32
        %dma_start3A_516 = tpu.memref_slice %arg8[%rem3A_286, %dma_start3A_509, %dma_start3A_515] : memref<3x8x64xi32, #tpu.memory_space<vmem>> -> memref<1x1x64xi32, #tpu.memory_space<vmem>>
        %dma_start3A_517 = tpu.memref_squeeze %dma_start3A_516 : memref<1x1x64xi32, #tpu.memory_space<vmem>> -> memref<64xi32, #tpu.memory_space<vmem>>
        %dma_start3A_518 = arith.constant 0 : i32
        %dma_start3A_519 = arith.constant 0 : i32
        %dma_start3A_520 = tpu.memref_slice %arg3[%dma_start3A_518, %dma_start3A_519] : memref<1000000x64xf32, #tpu.memory_space<hbm>> -> memref<1000000x64xf32, #tpu.memory_space<hbm>>
        %dma_start3A_521 = tpu.memref_slice %arg14[%rem3A_286] : memref<3x!tpu.dma_semaphore, #tpu.memory_space<semaphore_mem>> -> memref<1x!tpu.dma_semaphore, #tpu.memory_space<semaphore_mem>>
        %dma_start3A_522 = tpu.memref_squeeze %dma_start3A_521 : memref<1x!tpu.dma_semaphore, #tpu.memory_space<semaphore_mem>> -> memref<!tpu.dma_semaphore, #tpu.memory_space<semaphore_mem>>
        tpu.enqueue_indirect_dma source(%dma_start3A_520 : memref<1000000x64xf32, #tpu.memory_space<hbm>>) target(%dma_start3A_514 : memref<64x64xf32, #tpu.memory_space<vmem>>) offsets(%dma_start3A_517 : memref<64xi32, #tpu.memory_space<vmem>>) semaphore(%dma_start3A_522 : memref<!tpu.dma_semaphore, #tpu.memory_space<semaphore_mem>>)
        %dma_start3A_523 = arith.constant 4 : i32
        %dma_start3A_524 = arith.constant 4 : i32
        %dma_start3A_525 = arith.constant 0 : i32
        %dma_start3A_526 = arith.constant 0 : i32
        %dma_start3A_527 = tpu.memref_slice %arg9[%rem3A_286, %dma_start3A_524, %dma_start3A_525, %dma_start3A_526] : memref<3x8x64x64xf32, #tpu.memory_space<vmem>> -> memref<1x1x64x64xf32, #tpu.memory_space<vmem>>
        %dma_start3A_528 = tpu.memref_squeeze %dma_start3A_527 : memref<1x1x64x64xf32, #tpu.memory_space<vmem>> -> memref<64x64xf32, #tpu.memory_space<vmem>>
        %dma_start3A_529 = arith.constant 0 : i32
        %dma_start3A_530 = tpu.memref_slice %arg8[%rem3A_286, %dma_start3A_523, %dma_start3A_529] : memref<3x8x64xi32, #tpu.memory_space<vmem>> -> memref<1x1x64xi32, #tpu.memory_space<vmem>>
        %dma_start3A_531 = tpu.memref_squeeze %dma_start3A_530 : memref<1x1x64xi32, #tpu.memory_space<vmem>> -> memref<64xi32, #tpu.memory_space<vmem>>
        %dma_start3A_532 = arith.constant 0 : i32
        %dma_start3A_533 = arith.constant 0 : i32
        %dma_start3A_534 = tpu.memref_slice %arg3[%dma_start3A_532, %dma_start3A_533] : memref<1000000x64xf32, #tpu.memory_space<hbm>> -> memref<1000000x64xf32, #tpu.memory_space<hbm>>
        %dma_start3A_535 = tpu.memref_slice %arg14[%rem3A_286] : memref<3x!tpu.dma_semaphore, #tpu.memory_space<semaphore_mem>> -> memref<1x!tpu.dma_semaphore, #tpu.memory_space<semaphore_mem>>
        %dma_start3A_536 = tpu.memref_squeeze %dma_start3A_535 : memref<1x!tpu.dma_semaphore, #tpu.memory_space<semaphore_mem>> -> memref<!tpu.dma_semaphore, #tpu.memory_space<semaphore_mem>>
        tpu.enqueue_indirect_dma source(%dma_start3A_534 : memref<1000000x64xf32, #tpu.memory_space<hbm>>) target(%dma_start3A_528 : memref<64x64xf32, #tpu.memory_space<vmem>>) offsets(%dma_start3A_531 : memref<64xi32, #tpu.memory_space<vmem>>) semaphore(%dma_start3A_536 : memref<!tpu.dma_semaphore, #tpu.memory_space<semaphore_mem>>)
        %dma_start3A_537 = arith.constant 5 : i32
        %dma_start3A_538 = arith.constant 5 : i32
        %dma_start3A_539 = arith.constant 0 : i32
        %dma_start3A_540 = arith.constant 0 : i32
        %dma_start3A_541 = tpu.memref_slice %arg9[%rem3A_286, %dma_start3A_538, %dma_start3A_539, %dma_start3A_540] : memref<3x8x64x64xf32, #tpu.memory_space<vmem>> -> memref<1x1x64x64xf32, #tpu.memory_space<vmem>>
        %dma_start3A_542 = tpu.memref_squeeze %dma_start3A_541 : memref<1x1x64x64xf32, #tpu.memory_space<vmem>> -> memref<64x64xf32, #tpu.memory_space<vmem>>
        %dma_start3A_543 = arith.constant 0 : i32
        %dma_start3A_544 = tpu.memref_slice %arg8[%rem3A_286, %dma_start3A_537, %dma_start3A_543] : memref<3x8x64xi32, #tpu.memory_space<vmem>> -> memref<1x1x64xi32, #tpu.memory_space<vmem>>
        %dma_start3A_545 = tpu.memref_squeeze %dma_start3A_544 : memref<1x1x64xi32, #tpu.memory_space<vmem>> -> memref<64xi32, #tpu.memory_space<vmem>>
        %dma_start3A_546 = arith.constant 0 : i32
        %dma_start3A_547 = arith.constant 0 : i32
        %dma_start3A_548 = tpu.memref_slice %arg3[%dma_start3A_546, %dma_start3A_547] : memref<1000000x64xf32, #tpu.memory_space<hbm>> -> memref<1000000x64xf32, #tpu.memory_space<hbm>>
        %dma_start3A_549 = tpu.memref_slice %arg14[%rem3A_286] : memref<3x!tpu.dma_semaphore, #tpu.memory_space<semaphore_mem>> -> memref<1x!tpu.dma_semaphore, #tpu.memory_space<semaphore_mem>>
        %dma_start3A_550 = tpu.memref_squeeze %dma_start3A_549 : memref<1x!tpu.dma_semaphore, #tpu.memory_space<semaphore_mem>> -> memref<!tpu.dma_semaphore, #tpu.memory_space<semaphore_mem>>
        tpu.enqueue_indirect_dma source(%dma_start3A_548 : memref<1000000x64xf32, #tpu.memory_space<hbm>>) target(%dma_start3A_542 : memref<64x64xf32, #tpu.memory_space<vmem>>) offsets(%dma_start3A_545 : memref<64xi32, #tpu.memory_space<vmem>>) semaphore(%dma_start3A_550 : memref<!tpu.dma_semaphore, #tpu.memory_space<semaphore_mem>>)
        %dma_start3A_551 = arith.constant 6 : i32
        %dma_start3A_552 = arith.constant 6 : i32
        %dma_start3A_553 = arith.constant 0 : i32
        %dma_start3A_554 = arith.constant 0 : i32
        %dma_start3A_555 = tpu.memref_slice %arg9[%rem3A_286, %dma_start3A_552, %dma_start3A_553, %dma_start3A_554] : memref<3x8x64x64xf32, #tpu.memory_space<vmem>> -> memref<1x1x64x64xf32, #tpu.memory_space<vmem>>
        %dma_start3A_556 = tpu.memref_squeeze %dma_start3A_555 : memref<1x1x64x64xf32, #tpu.memory_space<vmem>> -> memref<64x64xf32, #tpu.memory_space<vmem>>
        %dma_start3A_557 = arith.constant 0 : i32
        %dma_start3A_558 = tpu.memref_slice %arg8[%rem3A_286, %dma_start3A_551, %dma_start3A_557] : memref<3x8x64xi32, #tpu.memory_space<vmem>> -> memref<1x1x64xi32, #tpu.memory_space<vmem>>
        %dma_start3A_559 = tpu.memref_squeeze %dma_start3A_558 : memref<1x1x64xi32, #tpu.memory_space<vmem>> -> memref<64xi32, #tpu.memory_space<vmem>>
        %dma_start3A_560 = arith.constant 0 : i32
        %dma_start3A_561 = arith.constant 0 : i32
        %dma_start3A_562 = tpu.memref_slice %arg3[%dma_start3A_560, %dma_start3A_561] : memref<1000000x64xf32, #tpu.memory_space<hbm>> -> memref<1000000x64xf32, #tpu.memory_space<hbm>>
        %dma_start3A_563 = tpu.memref_slice %arg14[%rem3A_286] : memref<3x!tpu.dma_semaphore, #tpu.memory_space<semaphore_mem>> -> memref<1x!tpu.dma_semaphore, #tpu.memory_space<semaphore_mem>>
        %dma_start3A_564 = tpu.memref_squeeze %dma_start3A_563 : memref<1x!tpu.dma_semaphore, #tpu.memory_space<semaphore_mem>> -> memref<!tpu.dma_semaphore, #tpu.memory_space<semaphore_mem>>
        tpu.enqueue_indirect_dma source(%dma_start3A_562 : memref<1000000x64xf32, #tpu.memory_space<hbm>>) target(%dma_start3A_556 : memref<64x64xf32, #tpu.memory_space<vmem>>) offsets(%dma_start3A_559 : memref<64xi32, #tpu.memory_space<vmem>>) semaphore(%dma_start3A_564 : memref<!tpu.dma_semaphore, #tpu.memory_space<semaphore_mem>>)
        %dma_start3A_565 = arith.constant 7 : i32
        %dma_start3A_566 = arith.constant 7 : i32
        %dma_start3A_567 = arith.constant 0 : i32
        %dma_start3A_568 = arith.constant 0 : i32
        %dma_start3A_569 = tpu.memref_slice %arg9[%rem3A_286, %dma_start3A_566, %dma_start3A_567, %dma_start3A_568] : memref<3x8x64x64xf32, #tpu.memory_space<vmem>> -> memref<1x1x64x64xf32, #tpu.memory_space<vmem>>
        %dma_start3A_570 = tpu.memref_squeeze %dma_start3A_569 : memref<1x1x64x64xf32, #tpu.memory_space<vmem>> -> memref<64x64xf32, #tpu.memory_space<vmem>>
        %dma_start3A_571 = arith.constant 0 : i32
        %dma_start3A_572 = tpu.memref_slice %arg8[%rem3A_286, %dma_start3A_565, %dma_start3A_571] : memref<3x8x64xi32, #tpu.memory_space<vmem>> -> memref<1x1x64xi32, #tpu.memory_space<vmem>>
        %dma_start3A_573 = tpu.memref_squeeze %dma_start3A_572 : memref<1x1x64xi32, #tpu.memory_space<vmem>> -> memref<64xi32, #tpu.memory_space<vmem>>
        %dma_start3A_574 = arith.constant 0 : i32
        %dma_start3A_575 = arith.constant 0 : i32
        %dma_start3A_576 = tpu.memref_slice %arg3[%dma_start3A_574, %dma_start3A_575] : memref<1000000x64xf32, #tpu.memory_space<hbm>> -> memref<1000000x64xf32, #tpu.memory_space<hbm>>
        %dma_start3A_577 = tpu.memref_slice %arg14[%rem3A_286] : memref<3x!tpu.dma_semaphore, #tpu.memory_space<semaphore_mem>> -> memref<1x!tpu.dma_semaphore, #tpu.memory_space<semaphore_mem>>
        %dma_start3A_578 = tpu.memref_squeeze %dma_start3A_577 : memref<1x!tpu.dma_semaphore, #tpu.memory_space<semaphore_mem>> -> memref<!tpu.dma_semaphore, #tpu.memory_space<semaphore_mem>>
        tpu.enqueue_indirect_dma source(%dma_start3A_576 : memref<1000000x64xf32, #tpu.memory_space<hbm>>) target(%dma_start3A_570 : memref<64x64xf32, #tpu.memory_space<vmem>>) offsets(%dma_start3A_573 : memref<64xi32, #tpu.memory_space<vmem>>) semaphore(%dma_start3A_578 : memref<!tpu.dma_semaphore, #tpu.memory_space<semaphore_mem>>)
      } else {
      }
      %dma_wait3A_309 = arith.constant 0 : i32
      %dma_wait3A_310 = arith.constant 0 : i32
      %dma_wait3A_311 = arith.constant 0 : i32
      %dma_wait3A_312 = arith.constant 0 : i32
      %dma_wait3A_313 = tpu.memref_slice %arg9[%rem3A_282, %dma_wait3A_310, %dma_wait3A_311, %dma_wait3A_312] : memref<3x8x64x64xf32, #tpu.memory_space<vmem>> -> memref<1x1x64x64xf32, #tpu.memory_space<vmem>>
      %dma_wait3A_314 = tpu.memref_squeeze %dma_wait3A_313 : memref<1x1x64x64xf32, #tpu.memory_space<vmem>> -> memref<64x64xf32, #tpu.memory_space<vmem>>
      %dma_wait3A_315 = arith.constant 0 : i32
      %dma_wait3A_316 = tpu.memref_slice %arg8[%rem3A_282, %dma_wait3A_309, %dma_wait3A_315] : memref<3x8x64xi32, #tpu.memory_space<vmem>> -> memref<1x1x64xi32, #tpu.memory_space<vmem>>
      %dma_wait3A_317 = tpu.memref_squeeze %dma_wait3A_316 : memref<1x1x64xi32, #tpu.memory_space<vmem>> -> memref<64xi32, #tpu.memory_space<vmem>>
      %dma_wait3A_318 = arith.constant 0 : i32
      %dma_wait3A_319 = arith.constant 0 : i32
      %dma_wait3A_320 = tpu.memref_slice %arg3[%dma_wait3A_318, %dma_wait3A_319] : memref<1000000x64xf32, #tpu.memory_space<hbm>> -> memref<1000000x64xf32, #tpu.memory_space<hbm>>
      %dma_wait3A_321 = tpu.memref_slice %arg14[%rem3A_282] : memref<3x!tpu.dma_semaphore, #tpu.memory_space<semaphore_mem>> -> memref<1x!tpu.dma_semaphore, #tpu.memory_space<semaphore_mem>>
      %dma_wait3A_322 = tpu.memref_squeeze %dma_wait3A_321 : memref<1x!tpu.dma_semaphore, #tpu.memory_space<semaphore_mem>> -> memref<!tpu.dma_semaphore, #tpu.memory_space<semaphore_mem>>
      tpu.wait_indirect_dma semaphore(%dma_wait3A_322 : memref<!tpu.dma_semaphore, #tpu.memory_space<semaphore_mem>>) src(%dma_wait3A_320 : memref<1000000x64xf32, #tpu.memory_space<hbm>>) dst(%dma_wait3A_314 : memref<64x64xf32, #tpu.memory_space<vmem>>)
      %dma_wait3A_323 = arith.constant 1 : i32
      %dma_wait3A_324 = arith.constant 1 : i32
      %dma_wait3A_325 = arith.constant 0 : i32
      %dma_wait3A_326 = arith.constant 0 : i32
      %dma_wait3A_327 = tpu.memref_slice %arg9[%rem3A_282, %dma_wait3A_324, %dma_wait3A_325, %dma_wait3A_326] : memref<3x8x64x64xf32, #tpu.memory_space<vmem>> -> memref<1x1x64x64xf32, #tpu.memory_space<vmem>>
      %dma_wait3A_328 = tpu.memref_squeeze %dma_wait3A_327 : memref<1x1x64x64xf32, #tpu.memory_space<vmem>> -> memref<64x64xf32, #tpu.memory_space<vmem>>
      %dma_wait3A_329 = arith.constant 0 : i32
      %dma_wait3A_330 = tpu.memref_slice %arg8[%rem3A_282, %dma_wait3A_323, %dma_wait3A_329] : memref<3x8x64xi32, #tpu.memory_space<vmem>> -> memref<1x1x64xi32, #tpu.memory_space<vmem>>
      %dma_wait3A_331 = tpu.memref_squeeze %dma_wait3A_330 : memref<1x1x64xi32, #tpu.memory_space<vmem>> -> memref<64xi32, #tpu.memory_space<vmem>>
      %dma_wait3A_332 = arith.constant 0 : i32
      %dma_wait3A_333 = arith.constant 0 : i32
      %dma_wait3A_334 = tpu.memref_slice %arg3[%dma_wait3A_332, %dma_wait3A_333] : memref<1000000x64xf32, #tpu.memory_space<hbm>> -> memref<1000000x64xf32, #tpu.memory_space<hbm>>
      %dma_wait3A_335 = tpu.memref_slice %arg14[%rem3A_282] : memref<3x!tpu.dma_semaphore, #tpu.memory_space<semaphore_mem>> -> memref<1x!tpu.dma_semaphore, #tpu.memory_space<semaphore_mem>>
      %dma_wait3A_336 = tpu.memref_squeeze %dma_wait3A_335 : memref<1x!tpu.dma_semaphore, #tpu.memory_space<semaphore_mem>> -> memref<!tpu.dma_semaphore, #tpu.memory_space<semaphore_mem>>
      tpu.wait_indirect_dma semaphore(%dma_wait3A_336 : memref<!tpu.dma_semaphore, #tpu.memory_space<semaphore_mem>>) src(%dma_wait3A_334 : memref<1000000x64xf32, #tpu.memory_space<hbm>>) dst(%dma_wait3A_328 : memref<64x64xf32, #tpu.memory_space<vmem>>)
      %dma_wait3A_337 = arith.constant 2 : i32
      %dma_wait3A_338 = arith.constant 2 : i32
      %dma_wait3A_339 = arith.constant 0 : i32
      %dma_wait3A_340 = arith.constant 0 : i32
      %dma_wait3A_341 = tpu.memref_slice %arg9[%rem3A_282, %dma_wait3A_338, %dma_wait3A_339, %dma_wait3A_340] : memref<3x8x64x64xf32, #tpu.memory_space<vmem>> -> memref<1x1x64x64xf32, #tpu.memory_space<vmem>>
      %dma_wait3A_342 = tpu.memref_squeeze %dma_wait3A_341 : memref<1x1x64x64xf32, #tpu.memory_space<vmem>> -> memref<64x64xf32, #tpu.memory_space<vmem>>
      %dma_wait3A_343 = arith.constant 0 : i32
      %dma_wait3A_344 = tpu.memref_slice %arg8[%rem3A_282, %dma_wait3A_337, %dma_wait3A_343] : memref<3x8x64xi32, #tpu.memory_space<vmem>> -> memref<1x1x64xi32, #tpu.memory_space<vmem>>
      %dma_wait3A_345 = tpu.memref_squeeze %dma_wait3A_344 : memref<1x1x64xi32, #tpu.memory_space<vmem>> -> memref<64xi32, #tpu.memory_space<vmem>>
      %dma_wait3A_346 = arith.constant 0 : i32
      %dma_wait3A_347 = arith.constant 0 : i32
      %dma_wait3A_348 = tpu.memref_slice %arg3[%dma_wait3A_346, %dma_wait3A_347] : memref<1000000x64xf32, #tpu.memory_space<hbm>> -> memref<1000000x64xf32, #tpu.memory_space<hbm>>
      %dma_wait3A_349 = tpu.memref_slice %arg14[%rem3A_282] : memref<3x!tpu.dma_semaphore, #tpu.memory_space<semaphore_mem>> -> memref<1x!tpu.dma_semaphore, #tpu.memory_space<semaphore_mem>>
      %dma_wait3A_350 = tpu.memref_squeeze %dma_wait3A_349 : memref<1x!tpu.dma_semaphore, #tpu.memory_space<semaphore_mem>> -> memref<!tpu.dma_semaphore, #tpu.memory_space<semaphore_mem>>
      tpu.wait_indirect_dma semaphore(%dma_wait3A_350 : memref<!tpu.dma_semaphore, #tpu.memory_space<semaphore_mem>>) src(%dma_wait3A_348 : memref<1000000x64xf32, #tpu.memory_space<hbm>>) dst(%dma_wait3A_342 : memref<64x64xf32, #tpu.memory_space<vmem>>)
      %dma_wait3A_351 = arith.constant 3 : i32
      %dma_wait3A_352 = arith.constant 3 : i32
      %dma_wait3A_353 = arith.constant 0 : i32
      %dma_wait3A_354 = arith.constant 0 : i32
      %dma_wait3A_355 = tpu.memref_slice %arg9[%rem3A_282, %dma_wait3A_352, %dma_wait3A_353, %dma_wait3A_354] : memref<3x8x64x64xf32, #tpu.memory_space<vmem>> -> memref<1x1x64x64xf32, #tpu.memory_space<vmem>>
      %dma_wait3A_356 = tpu.memref_squeeze %dma_wait3A_355 : memref<1x1x64x64xf32, #tpu.memory_space<vmem>> -> memref<64x64xf32, #tpu.memory_space<vmem>>
      %dma_wait3A_357 = arith.constant 0 : i32
      %dma_wait3A_358 = tpu.memref_slice %arg8[%rem3A_282, %dma_wait3A_351, %dma_wait3A_357] : memref<3x8x64xi32, #tpu.memory_space<vmem>> -> memref<1x1x64xi32, #tpu.memory_space<vmem>>
      %dma_wait3A_359 = tpu.memref_squeeze %dma_wait3A_358 : memref<1x1x64xi32, #tpu.memory_space<vmem>> -> memref<64xi32, #tpu.memory_space<vmem>>
      %dma_wait3A_360 = arith.constant 0 : i32
      %dma_wait3A_361 = arith.constant 0 : i32
      %dma_wait3A_362 = tpu.memref_slice %arg3[%dma_wait3A_360, %dma_wait3A_361] : memref<1000000x64xf32, #tpu.memory_space<hbm>> -> memref<1000000x64xf32, #tpu.memory_space<hbm>>
      %dma_wait3A_363 = tpu.memref_slice %arg14[%rem3A_282] : memref<3x!tpu.dma_semaphore, #tpu.memory_space<semaphore_mem>> -> memref<1x!tpu.dma_semaphore, #tpu.memory_space<semaphore_mem>>
      %dma_wait3A_364 = tpu.memref_squeeze %dma_wait3A_363 : memref<1x!tpu.dma_semaphore, #tpu.memory_space<semaphore_mem>> -> memref<!tpu.dma_semaphore, #tpu.memory_space<semaphore_mem>>
      tpu.wait_indirect_dma semaphore(%dma_wait3A_364 : memref<!tpu.dma_semaphore, #tpu.memory_space<semaphore_mem>>) src(%dma_wait3A_362 : memref<1000000x64xf32, #tpu.memory_space<hbm>>) dst(%dma_wait3A_356 : memref<64x64xf32, #tpu.memory_space<vmem>>)
      %dma_wait3A_365 = arith.constant 4 : i32
      %dma_wait3A_366 = arith.constant 4 : i32
      %dma_wait3A_367 = arith.constant 0 : i32
      %dma_wait3A_368 = arith.constant 0 : i32
      %dma_wait3A_369 = tpu.memref_slice %arg9[%rem3A_282, %dma_wait3A_366, %dma_wait3A_367, %dma_wait3A_368] : memref<3x8x64x64xf32, #tpu.memory_space<vmem>> -> memref<1x1x64x64xf32, #tpu.memory_space<vmem>>
      %dma_wait3A_370 = tpu.memref_squeeze %dma_wait3A_369 : memref<1x1x64x64xf32, #tpu.memory_space<vmem>> -> memref<64x64xf32, #tpu.memory_space<vmem>>
      %dma_wait3A_371 = arith.constant 0 : i32
      %dma_wait3A_372 = tpu.memref_slice %arg8[%rem3A_282, %dma_wait3A_365, %dma_wait3A_371] : memref<3x8x64xi32, #tpu.memory_space<vmem>> -> memref<1x1x64xi32, #tpu.memory_space<vmem>>
      %dma_wait3A_373 = tpu.memref_squeeze %dma_wait3A_372 : memref<1x1x64xi32, #tpu.memory_space<vmem>> -> memref<64xi32, #tpu.memory_space<vmem>>
      %dma_wait3A_374 = arith.constant 0 : i32
      %dma_wait3A_375 = arith.constant 0 : i32
      %dma_wait3A_376 = tpu.memref_slice %arg3[%dma_wait3A_374, %dma_wait3A_375] : memref<1000000x64xf32, #tpu.memory_space<hbm>> -> memref<1000000x64xf32, #tpu.memory_space<hbm>>
      %dma_wait3A_377 = tpu.memref_slice %arg14[%rem3A_282] : memref<3x!tpu.dma_semaphore, #tpu.memory_space<semaphore_mem>> -> memref<1x!tpu.dma_semaphore, #tpu.memory_space<semaphore_mem>>
      %dma_wait3A_378 = tpu.memref_squeeze %dma_wait3A_377 : memref<1x!tpu.dma_semaphore, #tpu.memory_space<semaphore_mem>> -> memref<!tpu.dma_semaphore, #tpu.memory_space<semaphore_mem>>
      tpu.wait_indirect_dma semaphore(%dma_wait3A_378 : memref<!tpu.dma_semaphore, #tpu.memory_space<semaphore_mem>>) src(%dma_wait3A_376 : memref<1000000x64xf32, #tpu.memory_space<hbm>>) dst(%dma_wait3A_370 : memref<64x64xf32, #tpu.memory_space<vmem>>)
      %dma_wait3A_379 = arith.constant 5 : i32
      %dma_wait3A_380 = arith.constant 5 : i32
      %dma_wait3A_381 = arith.constant 0 : i32
      %dma_wait3A_382 = arith.constant 0 : i32
      %dma_wait3A_383 = tpu.memref_slice %arg9[%rem3A_282, %dma_wait3A_380, %dma_wait3A_381, %dma_wait3A_382] : memref<3x8x64x64xf32, #tpu.memory_space<vmem>> -> memref<1x1x64x64xf32, #tpu.memory_space<vmem>>
      %dma_wait3A_384 = tpu.memref_squeeze %dma_wait3A_383 : memref<1x1x64x64xf32, #tpu.memory_space<vmem>> -> memref<64x64xf32, #tpu.memory_space<vmem>>
      %dma_wait3A_385 = arith.constant 0 : i32
      %dma_wait3A_386 = tpu.memref_slice %arg8[%rem3A_282, %dma_wait3A_379, %dma_wait3A_385] : memref<3x8x64xi32, #tpu.memory_space<vmem>> -> memref<1x1x64xi32, #tpu.memory_space<vmem>>
      %dma_wait3A_387 = tpu.memref_squeeze %dma_wait3A_386 : memref<1x1x64xi32, #tpu.memory_space<vmem>> -> memref<64xi32, #tpu.memory_space<vmem>>
      %dma_wait3A_388 = arith.constant 0 : i32
      %dma_wait3A_389 = arith.constant 0 : i32
      %dma_wait3A_390 = tpu.memref_slice %arg3[%dma_wait3A_388, %dma_wait3A_389] : memref<1000000x64xf32, #tpu.memory_space<hbm>> -> memref<1000000x64xf32, #tpu.memory_space<hbm>>
      %dma_wait3A_391 = tpu.memref_slice %arg14[%rem3A_282] : memref<3x!tpu.dma_semaphore, #tpu.memory_space<semaphore_mem>> -> memref<1x!tpu.dma_semaphore, #tpu.memory_space<semaphore_mem>>
      %dma_wait3A_392 = tpu.memref_squeeze %dma_wait3A_391 : memref<1x!tpu.dma_semaphore, #tpu.memory_space<semaphore_mem>> -> memref<!tpu.dma_semaphore, #tpu.memory_space<semaphore_mem>>
      tpu.wait_indirect_dma semaphore(%dma_wait3A_392 : memref<!tpu.dma_semaphore, #tpu.memory_space<semaphore_mem>>) src(%dma_wait3A_390 : memref<1000000x64xf32, #tpu.memory_space<hbm>>) dst(%dma_wait3A_384 : memref<64x64xf32, #tpu.memory_space<vmem>>)
      %dma_wait3A_393 = arith.constant 6 : i32
      %dma_wait3A_394 = arith.constant 6 : i32
      %dma_wait3A_395 = arith.constant 0 : i32
      %dma_wait3A_396 = arith.constant 0 : i32
      %dma_wait3A_397 = tpu.memref_slice %arg9[%rem3A_282, %dma_wait3A_394, %dma_wait3A_395, %dma_wait3A_396] : memref<3x8x64x64xf32, #tpu.memory_space<vmem>> -> memref<1x1x64x64xf32, #tpu.memory_space<vmem>>
      %dma_wait3A_398 = tpu.memref_squeeze %dma_wait3A_397 : memref<1x1x64x64xf32, #tpu.memory_space<vmem>> -> memref<64x64xf32, #tpu.memory_space<vmem>>
      %dma_wait3A_399 = arith.constant 0 : i32
      %dma_wait3A_400 = tpu.memref_slice %arg8[%rem3A_282, %dma_wait3A_393, %dma_wait3A_399] : memref<3x8x64xi32, #tpu.memory_space<vmem>> -> memref<1x1x64xi32, #tpu.memory_space<vmem>>
      %dma_wait3A_401 = tpu.memref_squeeze %dma_wait3A_400 : memref<1x1x64xi32, #tpu.memory_space<vmem>> -> memref<64xi32, #tpu.memory_space<vmem>>
      %dma_wait3A_402 = arith.constant 0 : i32
      %dma_wait3A_403 = arith.constant 0 : i32
      %dma_wait3A_404 = tpu.memref_slice %arg3[%dma_wait3A_402, %dma_wait3A_403] : memref<1000000x64xf32, #tpu.memory_space<hbm>> -> memref<1000000x64xf32, #tpu.memory_space<hbm>>
      %dma_wait3A_405 = tpu.memref_slice %arg14[%rem3A_282] : memref<3x!tpu.dma_semaphore, #tpu.memory_space<semaphore_mem>> -> memref<1x!tpu.dma_semaphore, #tpu.memory_space<semaphore_mem>>
      %dma_wait3A_406 = tpu.memref_squeeze %dma_wait3A_405 : memref<1x!tpu.dma_semaphore, #tpu.memory_space<semaphore_mem>> -> memref<!tpu.dma_semaphore, #tpu.memory_space<semaphore_mem>>
      tpu.wait_indirect_dma semaphore(%dma_wait3A_406 : memref<!tpu.dma_semaphore, #tpu.memory_space<semaphore_mem>>) src(%dma_wait3A_404 : memref<1000000x64xf32, #tpu.memory_space<hbm>>) dst(%dma_wait3A_398 : memref<64x64xf32, #tpu.memory_space<vmem>>)
      %dma_wait3A_407 = arith.constant 7 : i32
      %dma_wait3A_408 = arith.constant 7 : i32
      %dma_wait3A_409 = arith.constant 0 : i32
      %dma_wait3A_410 = arith.constant 0 : i32
      %dma_wait3A_411 = tpu.memref_slice %arg9[%rem3A_282, %dma_wait3A_408, %dma_wait3A_409, %dma_wait3A_410] : memref<3x8x64x64xf32, #tpu.memory_space<vmem>> -> memref<1x1x64x64xf32, #tpu.memory_space<vmem>>
      %dma_wait3A_412 = tpu.memref_squeeze %dma_wait3A_411 : memref<1x1x64x64xf32, #tpu.memory_space<vmem>> -> memref<64x64xf32, #tpu.memory_space<vmem>>
      %dma_wait3A_413 = arith.constant 0 : i32
      %dma_wait3A_414 = tpu.memref_slice %arg8[%rem3A_282, %dma_wait3A_407, %dma_wait3A_413] : memref<3x8x64xi32, #tpu.memory_space<vmem>> -> memref<1x1x64xi32, #tpu.memory_space<vmem>>
      %dma_wait3A_415 = tpu.memref_squeeze %dma_wait3A_414 : memref<1x1x64xi32, #tpu.memory_space<vmem>> -> memref<64xi32, #tpu.memory_space<vmem>>
      %dma_wait3A_416 = arith.constant 0 : i32
      %dma_wait3A_417 = arith.constant 0 : i32
      %dma_wait3A_418 = tpu.memref_slice %arg3[%dma_wait3A_416, %dma_wait3A_417] : memref<1000000x64xf32, #tpu.memory_space<hbm>> -> memref<1000000x64xf32, #tpu.memory_space<hbm>>
      %dma_wait3A_419 = tpu.memref_slice %arg14[%rem3A_282] : memref<3x!tpu.dma_semaphore, #tpu.memory_space<semaphore_mem>> -> memref<1x!tpu.dma_semaphore, #tpu.memory_space<semaphore_mem>>
      %dma_wait3A_420 = tpu.memref_squeeze %dma_wait3A_419 : memref<1x!tpu.dma_semaphore, #tpu.memory_space<semaphore_mem>> -> memref<!tpu.dma_semaphore, #tpu.memory_space<semaphore_mem>>
      tpu.wait_indirect_dma semaphore(%dma_wait3A_420 : memref<!tpu.dma_semaphore, #tpu.memory_space<semaphore_mem>>) src(%dma_wait3A_418 : memref<1000000x64xf32, #tpu.memory_space<hbm>>) dst(%dma_wait3A_412 : memref<64x64xf32, #tpu.memory_space<vmem>>)
      %mul3A_421 = arith.constant 8 : i32
      %mul3A_422 = arith.muli %scan3A_281, %mul3A_421 : i32
      %add3A_423 = arith.addi %mul3A_2, %mul3A_422 : i32
      %mul3A_424 = arith.constant 64 : i32
      %mul3A_425 = arith.muli %add3A_423, %mul3A_424 : i32
      %xor3A = arith.constant 8 : i32
      %xor3A_426 = vector.broadcast %xor3A : i32 to vector<16xi32>
      %xor3A_427 = arith.xori %iota3A, %xor3A_426 : vector<16xi32>
      %reshape3A = vector.shape_cast %xor3A_427 : vector<16xi32> to vector<16x1xi32>
      %xor3A_428 = arith.constant 4 : i32
      %xor3A_429 = vector.broadcast %xor3A_428 : i32 to vector<16xi32>
      %xor3A_430 = arith.xori %iota3A, %xor3A_429 : vector<16xi32>
      %reshape3A_431 = vector.shape_cast %xor3A_430 : vector<16xi32> to vector<16x1xi32>
      %xor3A_432 = arith.constant 2 : i32
      %xor3A_433 = vector.broadcast %xor3A_432 : i32 to vector<16xi32>
      %xor3A_434 = arith.xori %iota3A, %xor3A_433 : vector<16xi32>
      %reshape3A_435 = vector.shape_cast %xor3A_434 : vector<16xi32> to vector<16x1xi32>
      %xor3A_436 = arith.constant 1 : i32
      %xor3A_437 = vector.broadcast %xor3A_436 : i32 to vector<16xi32>
      %xor3A_438 = arith.xori %iota3A, %xor3A_437 : vector<16xi32>
      %reshape3A_439 = vector.shape_cast %xor3A_438 : vector<16xi32> to vector<16x1xi32>
      %scan3A_440 = arith.constant 0 : i32
      %scan3A_441 = arith.constant 0 : i32
      %scan3A_442 = arith.constant 128 : i32
      %scan3A_443 = arith.addi %scan3A_441, %scan3A_442 : i32
      %scan3A_444 = arith.constant 1 : i32
      scf.for %scan3A_467 = %scan3A_441 to %scan3A_443 step %scan3A_444  : i32 {
        %mul3A_468 = arith.constant 4 : i32
        %mul3A_469 = arith.muli %scan3A_467, %mul3A_468 : i32
        %shift_right_logical3A = arith.constant 6 : i32
        %shift_right_logical3A_470 = arith.shrui %mul3A_469, %shift_right_logical3A : i32
        %and3A_471 = arith.constant 63 : i32
        %and3A_472 = arith.andi %mul3A_469, %and3A_471 : i32
        %add3A_473 = arith.addi %mul3A_425, %mul3A_469 : i32
        %rem3A_474 = arith.constant 200 : i32
        %rem3A_475 = arith.remsi %add3A_473, %rem3A_474 : i32
        %add3A_476 = arith.constant 0 : i32
        %add3A_477 = arith.addi %and3A_472, %add3A_476 : i32
        %add3A_478 = arith.constant 0 : i32
        %add3A_479 = arith.addi %rem3A_475, %add3A_478 : i32
        %ge3A_480 = arith.constant 200 : i32
        %ge3A_481 = arith.cmpi sge, %add3A_479, %ge3A_480 : i32
        %sub3A = arith.constant 200 : i32
        %sub3A_482 = arith.subi %add3A_479, %sub3A : i32
        %select_n3A = arith.select %ge3A_481, %sub3A_482, %add3A_479 : i32
        %add3A_483 = arith.constant 1 : i32
        %add3A_484 = arith.addi %and3A_472, %add3A_483 : i32
        %add3A_485 = arith.constant 1 : i32
        %add3A_486 = arith.addi %rem3A_475, %add3A_485 : i32
        %ge3A_487 = arith.constant 200 : i32
        %ge3A_488 = arith.cmpi sge, %add3A_486, %ge3A_487 : i32
        %sub3A_489 = arith.constant 200 : i32
        %sub3A_490 = arith.subi %add3A_486, %sub3A_489 : i32
        %select_n3A_491 = arith.select %ge3A_488, %sub3A_490, %add3A_486 : i32
        %add3A_492 = arith.constant 2 : i32
        %add3A_493 = arith.addi %and3A_472, %add3A_492 : i32
        %add3A_494 = arith.constant 2 : i32
        %add3A_495 = arith.addi %rem3A_475, %add3A_494 : i32
        %ge3A_496 = arith.constant 200 : i32
        %ge3A_497 = arith.cmpi sge, %add3A_495, %ge3A_496 : i32
        %sub3A_498 = arith.constant 200 : i32
        %sub3A_499 = arith.subi %add3A_495, %sub3A_498 : i32
        %select_n3A_500 = arith.select %ge3A_497, %sub3A_499, %add3A_495 : i32
        %add3A_501 = arith.constant 3 : i32
        %add3A_502 = arith.addi %and3A_472, %add3A_501 : i32
        %add3A_503 = arith.constant 3 : i32
        %add3A_504 = arith.addi %rem3A_475, %add3A_503 : i32
        %ge3A_505 = arith.constant 200 : i32
        %ge3A_506 = arith.cmpi sge, %add3A_504, %ge3A_505 : i32
        %sub3A_507 = arith.constant 200 : i32
        %sub3A_508 = arith.subi %add3A_504, %sub3A_507 : i32
        %select_n3A_509 = arith.select %ge3A_506, %sub3A_508, %add3A_504 : i32
        %get3A_510 = arith.index_cast %rem3A_282 : i32 to index
        %get3A_511 = arith.index_cast %shift_right_logical3A_470 : i32 to index
        %get3A_512 = arith.index_cast %add3A_477 : i32 to index
        %get3A_513 = arith.constant 0 : index
        %get3A_514 = tpu.vector_load %arg9[%get3A_510, %get3A_511, %get3A_512, %get3A_513] {strides = array<i32>} : memref<3x8x64x64xf32, #tpu.memory_space<vmem>>, vector<16xf32>,
        %get3A_515 = arith.index_cast %select_n3A : i32 to index
        %get3A_516 = arith.constant 0 : index
        %get3A_517 = tpu.vector_load %arg10[%get3A_515, %get3A_516] {strides = array<i32>} : memref<200x64xf32, #tpu.memory_space<vmem>>, vector<16xf32>,
        %add3A_518 = arith.addf %get3A_514, %get3A_517 : vector<16xf32>
        %get3A_519 = arith.index_cast %rem3A_282 : i32 to index
        %get3A_520 = arith.index_cast %shift_right_logical3A_470 : i32 to index
        %get3A_521 = arith.index_cast %add3A_477 : i32 to index
        %get3A_522 = arith.constant 16 : index
        %get3A_523 = tpu.vector_load %arg9[%get3A_519, %get3A_520, %get3A_521, %get3A_522] {strides = array<i32>} : memref<3x8x64x64xf32, #tpu.memory_space<vmem>>, vector<16xf32>,
        %get3A_524 = arith.index_cast %select_n3A : i32 to index
        %get3A_525 = arith.constant 16 : index
        %get3A_526 = tpu.vector_load %arg10[%get3A_524, %get3A_525] {strides = array<i32>} : memref<200x64xf32, #tpu.memory_space<vmem>>, vector<16xf32>,
        %add3A_527 = arith.addf %get3A_523, %get3A_526 : vector<16xf32>
        %get3A_528 = arith.index_cast %rem3A_282 : i32 to index
        %get3A_529 = arith.index_cast %shift_right_logical3A_470 : i32 to index
        %get3A_530 = arith.index_cast %add3A_477 : i32 to index
        %get3A_531 = arith.constant 32 : index
        %get3A_532 = tpu.vector_load %arg9[%get3A_528, %get3A_529, %get3A_530, %get3A_531] {strides = array<i32>} : memref<3x8x64x64xf32, #tpu.memory_space<vmem>>, vector<16xf32>,
        %get3A_533 = arith.index_cast %select_n3A : i32 to index
        %get3A_534 = arith.constant 32 : index
        %get3A_535 = tpu.vector_load %arg10[%get3A_533, %get3A_534] {strides = array<i32>} : memref<200x64xf32, #tpu.memory_space<vmem>>, vector<16xf32>,
        %add3A_536 = arith.addf %get3A_532, %get3A_535 : vector<16xf32>
        %get3A_537 = arith.index_cast %rem3A_282 : i32 to index
        %get3A_538 = arith.index_cast %shift_right_logical3A_470 : i32 to index
        %get3A_539 = arith.index_cast %add3A_477 : i32 to index
        %get3A_540 = arith.constant 48 : index
        %get3A_541 = tpu.vector_load %arg9[%get3A_537, %get3A_538, %get3A_539, %get3A_540] {strides = array<i32>} : memref<3x8x64x64xf32, #tpu.memory_space<vmem>>, vector<16xf32>,
        %get3A_542 = arith.index_cast %select_n3A : i32 to index
        %get3A_543 = arith.constant 48 : index
        %get3A_544 = tpu.vector_load %arg10[%get3A_542, %get3A_543] {strides = array<i32>} : memref<200x64xf32, #tpu.memory_space<vmem>>, vector<16xf32>,
        %add3A_545 = arith.addf %get3A_541, %get3A_544 : vector<16xf32>
        %get3A_546 = arith.index_cast %rem3A_282 : i32 to index
        %get3A_547 = arith.index_cast %shift_right_logical3A_470 : i32 to index
        %get3A_548 = arith.index_cast %add3A_484 : i32 to index
        %get3A_549 = arith.constant 0 : index
        %get3A_550 = tpu.vector_load %arg9[%get3A_546, %get3A_547, %get3A_548, %get3A_549] {strides = array<i32>} : memref<3x8x64x64xf32, #tpu.memory_space<vmem>>, vector<16xf32>,
        %get3A_551 = arith.index_cast %select_n3A_491 : i32 to index
        %get3A_552 = arith.constant 0 : index
        %get3A_553 = tpu.vector_load %arg10[%get3A_551, %get3A_552] {strides = array<i32>} : memref<200x64xf32, #tpu.memory_space<vmem>>, vector<16xf32>,
        %add3A_554 = arith.addf %get3A_550, %get3A_553 : vector<16xf32>
        %get3A_555 = arith.index_cast %rem3A_282 : i32 to index
        %get3A_556 = arith.index_cast %shift_right_logical3A_470 : i32 to index
        %get3A_557 = arith.index_cast %add3A_484 : i32 to index
        %get3A_558 = arith.constant 16 : index
        %get3A_559 = tpu.vector_load %arg9[%get3A_555, %get3A_556, %get3A_557, %get3A_558] {strides = array<i32>} : memref<3x8x64x64xf32, #tpu.memory_space<vmem>>, vector<16xf32>,
        %get3A_560 = arith.index_cast %select_n3A_491 : i32 to index
        %get3A_561 = arith.constant 16 : index
        %get3A_562 = tpu.vector_load %arg10[%get3A_560, %get3A_561] {strides = array<i32>} : memref<200x64xf32, #tpu.memory_space<vmem>>, vector<16xf32>,
        %add3A_563 = arith.addf %get3A_559, %get3A_562 : vector<16xf32>
        %get3A_564 = arith.index_cast %rem3A_282 : i32 to index
        %get3A_565 = arith.index_cast %shift_right_logical3A_470 : i32 to index
        %get3A_566 = arith.index_cast %add3A_484 : i32 to index
        %get3A_567 = arith.constant 32 : index
        %get3A_568 = tpu.vector_load %arg9[%get3A_564, %get3A_565, %get3A_566, %get3A_567] {strides = array<i32>} : memref<3x8x64x64xf32, #tpu.memory_space<vmem>>, vector<16xf32>,
        %get3A_569 = arith.index_cast %select_n3A_491 : i32 to index
        %get3A_570 = arith.constant 32 : index
        %get3A_571 = tpu.vector_load %arg10[%get3A_569, %get3A_570] {strides = array<i32>} : memref<200x64xf32, #tpu.memory_space<vmem>>, vector<16xf32>,
        %add3A_572 = arith.addf %get3A_568, %get3A_571 : vector<16xf32>
        %get3A_573 = arith.index_cast %rem3A_282 : i32 to index
        %get3A_574 = arith.index_cast %shift_right_logical3A_470 : i32 to index
        %get3A_575 = arith.index_cast %add3A_484 : i32 to index
        %get3A_576 = arith.constant 48 : index
        %get3A_577 = tpu.vector_load %arg9[%get3A_573, %get3A_574, %get3A_575, %get3A_576] {strides = array<i32>} : memref<3x8x64x64xf32, #tpu.memory_space<vmem>>, vector<16xf32>,
        %get3A_578 = arith.index_cast %select_n3A_491 : i32 to index
        %get3A_579 = arith.constant 48 : index
        %get3A_580 = tpu.vector_load %arg10[%get3A_578, %get3A_579] {strides = array<i32>} : memref<200x64xf32, #tpu.memory_space<vmem>>, vector<16xf32>,
        %add3A_581 = arith.addf %get3A_577, %get3A_580 : vector<16xf32>
        %get3A_582 = arith.index_cast %rem3A_282 : i32 to index
        %get3A_583 = arith.index_cast %shift_right_logical3A_470 : i32 to index
        %get3A_584 = arith.index_cast %add3A_493 : i32 to index
        %get3A_585 = arith.constant 0 : index
        %get3A_586 = tpu.vector_load %arg9[%get3A_582, %get3A_583, %get3A_584, %get3A_585] {strides = array<i32>} : memref<3x8x64x64xf32, #tpu.memory_space<vmem>>, vector<16xf32>,
        %get3A_587 = arith.index_cast %select_n3A_500 : i32 to index
        %get3A_588 = arith.constant 0 : index
        %get3A_589 = tpu.vector_load %arg10[%get3A_587, %get3A_588] {strides = array<i32>} : memref<200x64xf32, #tpu.memory_space<vmem>>, vector<16xf32>,
        %add3A_590 = arith.addf %get3A_586, %get3A_589 : vector<16xf32>
        %get3A_591 = arith.index_cast %rem3A_282 : i32 to index
        %get3A_592 = arith.index_cast %shift_right_logical3A_470 : i32 to index
        %get3A_593 = arith.index_cast %add3A_493 : i32 to index
        %get3A_594 = arith.constant 16 : index
        %get3A_595 = tpu.vector_load %arg9[%get3A_591, %get3A_592, %get3A_593, %get3A_594] {strides = array<i32>} : memref<3x8x64x64xf32, #tpu.memory_space<vmem>>, vector<16xf32>,
        %get3A_596 = arith.index_cast %select_n3A_500 : i32 to index
        %get3A_597 = arith.constant 16 : index
        %get3A_598 = tpu.vector_load %arg10[%get3A_596, %get3A_597] {strides = array<i32>} : memref<200x64xf32, #tpu.memory_space<vmem>>, vector<16xf32>,
        %add3A_599 = arith.addf %get3A_595, %get3A_598 : vector<16xf32>
        %get3A_600 = arith.index_cast %rem3A_282 : i32 to index
        %get3A_601 = arith.index_cast %shift_right_logical3A_470 : i32 to index
        %get3A_602 = arith.index_cast %add3A_493 : i32 to index
        %get3A_603 = arith.constant 32 : index
        %get3A_604 = tpu.vector_load %arg9[%get3A_600, %get3A_601, %get3A_602, %get3A_603] {strides = array<i32>} : memref<3x8x64x64xf32, #tpu.memory_space<vmem>>, vector<16xf32>,
        %get3A_605 = arith.index_cast %select_n3A_500 : i32 to index
        %get3A_606 = arith.constant 32 : index
        %get3A_607 = tpu.vector_load %arg10[%get3A_605, %get3A_606] {strides = array<i32>} : memref<200x64xf32, #tpu.memory_space<vmem>>, vector<16xf32>,
        %add3A_608 = arith.addf %get3A_604, %get3A_607 : vector<16xf32>
        %get3A_609 = arith.index_cast %rem3A_282 : i32 to index
        %get3A_610 = arith.index_cast %shift_right_logical3A_470 : i32 to index
        %get3A_611 = arith.index_cast %add3A_493 : i32 to index
        %get3A_612 = arith.constant 48 : index
        %get3A_613 = tpu.vector_load %arg9[%get3A_609, %get3A_610, %get3A_611, %get3A_612] {strides = array<i32>} : memref<3x8x64x64xf32, #tpu.memory_space<vmem>>, vector<16xf32>,
        %get3A_614 = arith.index_cast %select_n3A_500 : i32 to index
        %get3A_615 = arith.constant 48 : index
        %get3A_616 = tpu.vector_load %arg10[%get3A_614, %get3A_615] {strides = array<i32>} : memref<200x64xf32, #tpu.memory_space<vmem>>, vector<16xf32>,
        %add3A_617 = arith.addf %get3A_613, %get3A_616 : vector<16xf32>
        %get3A_618 = arith.index_cast %rem3A_282 : i32 to index
        %get3A_619 = arith.index_cast %shift_right_logical3A_470 : i32 to index
        %get3A_620 = arith.index_cast %add3A_502 : i32 to index
        %get3A_621 = arith.constant 0 : index
        %get3A_622 = tpu.vector_load %arg9[%get3A_618, %get3A_619, %get3A_620, %get3A_621] {strides = array<i32>} : memref<3x8x64x64xf32, #tpu.memory_space<vmem>>, vector<16xf32>,
        %get3A_623 = arith.index_cast %select_n3A_509 : i32 to index
        %get3A_624 = arith.constant 0 : index
        %get3A_625 = tpu.vector_load %arg10[%get3A_623, %get3A_624] {strides = array<i32>} : memref<200x64xf32, #tpu.memory_space<vmem>>, vector<16xf32>,
        %add3A_626 = arith.addf %get3A_622, %get3A_625 : vector<16xf32>
        %get3A_627 = arith.index_cast %rem3A_282 : i32 to index
        %get3A_628 = arith.index_cast %shift_right_logical3A_470 : i32 to index
        %get3A_629 = arith.index_cast %add3A_502 : i32 to index
        %get3A_630 = arith.constant 16 : index
        %get3A_631 = tpu.vector_load %arg9[%get3A_627, %get3A_628, %get3A_629, %get3A_630] {strides = array<i32>} : memref<3x8x64x64xf32, #tpu.memory_space<vmem>>, vector<16xf32>,
        %get3A_632 = arith.index_cast %select_n3A_509 : i32 to index
        %get3A_633 = arith.constant 16 : index
        %get3A_634 = tpu.vector_load %arg10[%get3A_632, %get3A_633] {strides = array<i32>} : memref<200x64xf32, #tpu.memory_space<vmem>>, vector<16xf32>,
        %add3A_635 = arith.addf %get3A_631, %get3A_634 : vector<16xf32>
        %get3A_636 = arith.index_cast %rem3A_282 : i32 to index
        %get3A_637 = arith.index_cast %shift_right_logical3A_470 : i32 to index
        %get3A_638 = arith.index_cast %add3A_502 : i32 to index
        %get3A_639 = arith.constant 32 : index
        %get3A_640 = tpu.vector_load %arg9[%get3A_636, %get3A_637, %get3A_638, %get3A_639] {strides = array<i32>} : memref<3x8x64x64xf32, #tpu.memory_space<vmem>>, vector<16xf32>,
        %get3A_641 = arith.index_cast %select_n3A_509 : i32 to index
        %get3A_642 = arith.constant 32 : index
        %get3A_643 = tpu.vector_load %arg10[%get3A_641, %get3A_642] {strides = array<i32>} : memref<200x64xf32, #tpu.memory_space<vmem>>, vector<16xf32>,
        %add3A_644 = arith.addf %get3A_640, %get3A_643 : vector<16xf32>
        %get3A_645 = arith.index_cast %rem3A_282 : i32 to index
        %get3A_646 = arith.index_cast %shift_right_logical3A_470 : i32 to index
        %get3A_647 = arith.index_cast %add3A_502 : i32 to index
        %get3A_648 = arith.constant 48 : index
        %get3A_649 = tpu.vector_load %arg9[%get3A_645, %get3A_646, %get3A_647, %get3A_648] {strides = array<i32>} : memref<3x8x64x64xf32, #tpu.memory_space<vmem>>, vector<16xf32>,
        %get3A_650 = arith.index_cast %select_n3A_509 : i32 to index
        %get3A_651 = arith.constant 48 : index
        %get3A_652 = tpu.vector_load %arg10[%get3A_650, %get3A_651] {strides = array<i32>} : memref<200x64xf32, #tpu.memory_space<vmem>>, vector<16xf32>,
        %add3A_653 = arith.addf %get3A_649, %get3A_652 : vector<16xf32>
        %add3A_654 = arith.addf %add3A_518, %add3A_527 : vector<16xf32>
        %add3A_655 = arith.addf %add3A_536, %add3A_545 : vector<16xf32>
        %add3A_656 = arith.addf %add3A_654, %add3A_655 : vector<16xf32>
        %add3A_657 = arith.addf %add3A_554, %add3A_563 : vector<16xf32>
        %add3A_658 = arith.addf %add3A_572, %add3A_581 : vector<16xf32>
        %add3A_659 = arith.addf %add3A_657, %add3A_658 : vector<16xf32>
        %add3A_660 = arith.addf %add3A_590, %add3A_599 : vector<16xf32>
        %add3A_661 = arith.addf %add3A_608, %add3A_617 : vector<16xf32>
        %add3A_662 = arith.addf %add3A_660, %add3A_661 : vector<16xf32>
        %add3A_663 = arith.addf %add3A_626, %add3A_635 : vector<16xf32>
        %add3A_664 = arith.addf %add3A_644, %add3A_653 : vector<16xf32>
        %add3A_665 = arith.addf %add3A_663, %add3A_664 : vector<16xf32>
        %mul3A_666 = arith.mulf %add3A_518, %add3A_518 : vector<16xf32>
        %mul3A_667 = arith.mulf %add3A_527, %add3A_527 : vector<16xf32>
        %add3A_668 = arith.addf %mul3A_666, %mul3A_667 : vector<16xf32>
        %mul3A_669 = arith.mulf %add3A_536, %add3A_536 : vector<16xf32>
        %mul3A_670 = arith.mulf %add3A_545, %add3A_545 : vector<16xf32>
        %add3A_671 = arith.addf %mul3A_669, %mul3A_670 : vector<16xf32>
        %add3A_672 = arith.addf %add3A_668, %add3A_671 : vector<16xf32>
        %mul3A_673 = arith.mulf %add3A_554, %add3A_554 : vector<16xf32>
        %mul3A_674 = arith.mulf %add3A_563, %add3A_563 : vector<16xf32>
        %add3A_675 = arith.addf %mul3A_673, %mul3A_674 : vector<16xf32>
        %mul3A_676 = arith.mulf %add3A_572, %add3A_572 : vector<16xf32>
        %mul3A_677 = arith.mulf %add3A_581, %add3A_581 : vector<16xf32>
        %add3A_678 = arith.addf %mul3A_676, %mul3A_677 : vector<16xf32>
        %add3A_679 = arith.addf %add3A_675, %add3A_678 : vector<16xf32>
        %mul3A_680 = arith.mulf %add3A_590, %add3A_590 : vector<16xf32>
        %mul3A_681 = arith.mulf %add3A_599, %add3A_599 : vector<16xf32>
        %add3A_682 = arith.addf %mul3A_680, %mul3A_681 : vector<16xf32>
        %mul3A_683 = arith.mulf %add3A_608, %add3A_608 : vector<16xf32>
        %mul3A_684 = arith.mulf %add3A_617, %add3A_617 : vector<16xf32>
        %add3A_685 = arith.addf %mul3A_683, %mul3A_684 : vector<16xf32>
        %add3A_686 = arith.addf %add3A_682, %add3A_685 : vector<16xf32>
        %mul3A_687 = arith.mulf %add3A_626, %add3A_626 : vector<16xf32>
        %mul3A_688 = arith.mulf %add3A_635, %add3A_635 : vector<16xf32>
        %add3A_689 = arith.addf %mul3A_687, %mul3A_688 : vector<16xf32>
        %mul3A_690 = arith.mulf %add3A_644, %add3A_644 : vector<16xf32>
        %mul3A_691 = arith.mulf %add3A_653, %add3A_653 : vector<16xf32>
        %add3A_692 = arith.addf %mul3A_690, %mul3A_691 : vector<16xf32>
        %add3A_693 = arith.addf %add3A_689, %add3A_692 : vector<16xf32>
        %gather3A = vector.shape_cast %reshape3A : vector<16x1xi32> to vector<16xi32>
        %gather3A_694 = tpu.dynamic_gather %add3A_656[%gather3A] in [0] : vector<16xf32>, vector<16xi32> -> vector<16xf32>
        %add3A_695 = arith.addf %add3A_656, %gather3A_694 : vector<16xf32>
        %gather3A_696 = vector.shape_cast %reshape3A : vector<16x1xi32> to vector<16xi32>
        %gather3A_697 = tpu.dynamic_gather %add3A_672[%gather3A_696] in [0] : vector<16xf32>, vector<16xi32> -> vector<16xf32>
        %add3A_698 = arith.addf %add3A_672, %gather3A_697 : vector<16xf32>
        %gather3A_699 = vector.shape_cast %reshape3A : vector<16x1xi32> to vector<16xi32>
        %gather3A_700 = tpu.dynamic_gather %add3A_659[%gather3A_699] in [0] : vector<16xf32>, vector<16xi32> -> vector<16xf32>
        %add3A_701 = arith.addf %add3A_659, %gather3A_700 : vector<16xf32>
        %gather3A_702 = vector.shape_cast %reshape3A : vector<16x1xi32> to vector<16xi32>
        %gather3A_703 = tpu.dynamic_gather %add3A_679[%gather3A_702] in [0] : vector<16xf32>, vector<16xi32> -> vector<16xf32>
        %add3A_704 = arith.addf %add3A_679, %gather3A_703 : vector<16xf32>
        %gather3A_705 = vector.shape_cast %reshape3A : vector<16x1xi32> to vector<16xi32>
        %gather3A_706 = tpu.dynamic_gather %add3A_662[%gather3A_705] in [0] : vector<16xf32>, vector<16xi32> -> vector<16xf32>
        %add3A_707 = arith.addf %add3A_662, %gather3A_706 : vector<16xf32>
        %gather3A_708 = vector.shape_cast %reshape3A : vector<16x1xi32> to vector<16xi32>
        %gather3A_709 = tpu.dynamic_gather %add3A_686[%gather3A_708] in [0] : vector<16xf32>, vector<16xi32> -> vector<16xf32>
        %add3A_710 = arith.addf %add3A_686, %gather3A_709 : vector<16xf32>
        %gather3A_711 = vector.shape_cast %reshape3A : vector<16x1xi32> to vector<16xi32>
        %gather3A_712 = tpu.dynamic_gather %add3A_665[%gather3A_711] in [0] : vector<16xf32>, vector<16xi32> -> vector<16xf32>
        %add3A_713 = arith.addf %add3A_665, %gather3A_712 : vector<16xf32>
        %gather3A_714 = vector.shape_cast %reshape3A : vector<16x1xi32> to vector<16xi32>
        %gather3A_715 = tpu.dynamic_gather %add3A_693[%gather3A_714] in [0] : vector<16xf32>, vector<16xi32> -> vector<16xf32>
        %add3A_716 = arith.addf %add3A_693, %gather3A_715 : vector<16xf32>
        %gather3A_717 = vector.shape_cast %reshape3A_431 : vector<16x1xi32> to vector<16xi32>
        %gather3A_718 = tpu.dynamic_gather %add3A_695[%gather3A_717] in [0] : vector<16xf32>, vector<16xi32> -> vector<16xf32>
        %add3A_719 = arith.addf %add3A_695, %gather3A_718 : vector<16xf32>
        %gather3A_720 = vector.shape_cast %reshape3A_431 : vector<16x1xi32> to vector<16xi32>
        %gather3A_721 = tpu.dynamic_gather %add3A_698[%gather3A_720] in [0] : vector<16xf32>, vector<16xi32> -> vector<16xf32>
        %add3A_722 = arith.addf %add3A_698, %gather3A_721 : vector<16xf32>
        %gather3A_723 = vector.shape_cast %reshape3A_431 : vector<16x1xi32> to vector<16xi32>
        %gather3A_724 = tpu.dynamic_gather %add3A_701[%gather3A_723] in [0] : vector<16xf32>, vector<16xi32> -> vector<16xf32>
        %add3A_725 = arith.addf %add3A_701, %gather3A_724 : vector<16xf32>
        %gather3A_726 = vector.shape_cast %reshape3A_431 : vector<16x1xi32> to vector<16xi32>
        %gather3A_727 = tpu.dynamic_gather %add3A_704[%gather3A_726] in [0] : vector<16xf32>, vector<16xi32> -> vector<16xf32>
        %add3A_728 = arith.addf %add3A_704, %gather3A_727 : vector<16xf32>
        %gather3A_729 = vector.shape_cast %reshape3A_431 : vector<16x1xi32> to vector<16xi32>
        %gather3A_730 = tpu.dynamic_gather %add3A_707[%gather3A_729] in [0] : vector<16xf32>, vector<16xi32> -> vector<16xf32>
        %add3A_731 = arith.addf %add3A_707, %gather3A_730 : vector<16xf32>
        %gather3A_732 = vector.shape_cast %reshape3A_431 : vector<16x1xi32> to vector<16xi32>
        %gather3A_733 = tpu.dynamic_gather %add3A_710[%gather3A_732] in [0] : vector<16xf32>, vector<16xi32> -> vector<16xf32>
        %add3A_734 = arith.addf %add3A_710, %gather3A_733 : vector<16xf32>
        %gather3A_735 = vector.shape_cast %reshape3A_431 : vector<16x1xi32> to vector<16xi32>
        %gather3A_736 = tpu.dynamic_gather %add3A_713[%gather3A_735] in [0] : vector<16xf32>, vector<16xi32> -> vector<16xf32>
        %add3A_737 = arith.addf %add3A_713, %gather3A_736 : vector<16xf32>
        %gather3A_738 = vector.shape_cast %reshape3A_431 : vector<16x1xi32> to vector<16xi32>
        %gather3A_739 = tpu.dynamic_gather %add3A_716[%gather3A_738] in [0] : vector<16xf32>, vector<16xi32> -> vector<16xf32>
        %add3A_740 = arith.addf %add3A_716, %gather3A_739 : vector<16xf32>
        %gather3A_741 = vector.shape_cast %reshape3A_435 : vector<16x1xi32> to vector<16xi32>
        %gather3A_742 = tpu.dynamic_gather %add3A_719[%gather3A_741] in [0] : vector<16xf32>, vector<16xi32> -> vector<16xf32>
        %add3A_743 = arith.addf %add3A_719, %gather3A_742 : vector<16xf32>
        %gather3A_744 = vector.shape_cast %reshape3A_435 : vector<16x1xi32> to vector<16xi32>
        %gather3A_745 = tpu.dynamic_gather %add3A_722[%gather3A_744] in [0] : vector<16xf32>, vector<16xi32> -> vector<16xf32>
        %add3A_746 = arith.addf %add3A_722, %gather3A_745 : vector<16xf32>
        %gather3A_747 = vector.shape_cast %reshape3A_435 : vector<16x1xi32> to vector<16xi32>
        %gather3A_748 = tpu.dynamic_gather %add3A_725[%gather3A_747] in [0] : vector<16xf32>, vector<16xi32> -> vector<16xf32>
        %add3A_749 = arith.addf %add3A_725, %gather3A_748 : vector<16xf32>
        %gather3A_750 = vector.shape_cast %reshape3A_435 : vector<16x1xi32> to vector<16xi32>
        %gather3A_751 = tpu.dynamic_gather %add3A_728[%gather3A_750] in [0] : vector<16xf32>, vector<16xi32> -> vector<16xf32>
        %add3A_752 = arith.addf %add3A_728, %gather3A_751 : vector<16xf32>
        %gather3A_753 = vector.shape_cast %reshape3A_435 : vector<16x1xi32> to vector<16xi32>
        %gather3A_754 = tpu.dynamic_gather %add3A_731[%gather3A_753] in [0] : vector<16xf32>, vector<16xi32> -> vector<16xf32>
        %add3A_755 = arith.addf %add3A_731, %gather3A_754 : vector<16xf32>
        %gather3A_756 = vector.shape_cast %reshape3A_435 : vector<16x1xi32> to vector<16xi32>
        %gather3A_757 = tpu.dynamic_gather %add3A_734[%gather3A_756] in [0] : vector<16xf32>, vector<16xi32> -> vector<16xf32>
        %add3A_758 = arith.addf %add3A_734, %gather3A_757 : vector<16xf32>
        %gather3A_759 = vector.shape_cast %reshape3A_435 : vector<16x1xi32> to vector<16xi32>
        %gather3A_760 = tpu.dynamic_gather %add3A_737[%gather3A_759] in [0] : vector<16xf32>, vector<16xi32> -> vector<16xf32>
        %add3A_761 = arith.addf %add3A_737, %gather3A_760 : vector<16xf32>
        %gather3A_762 = vector.shape_cast %reshape3A_435 : vector<16x1xi32> to vector<16xi32>
        %gather3A_763 = tpu.dynamic_gather %add3A_740[%gather3A_762] in [0] : vector<16xf32>, vector<16xi32> -> vector<16xf32>
        %add3A_764 = arith.addf %add3A_740, %gather3A_763 : vector<16xf32>
        %gather3A_765 = vector.shape_cast %reshape3A_439 : vector<16x1xi32> to vector<16xi32>
        %gather3A_766 = tpu.dynamic_gather %add3A_743[%gather3A_765] in [0] : vector<16xf32>, vector<16xi32> -> vector<16xf32>
        %add3A_767 = arith.addf %add3A_743, %gather3A_766 : vector<16xf32>
        %gather3A_768 = vector.shape_cast %reshape3A_439 : vector<16x1xi32> to vector<16xi32>
        %gather3A_769 = tpu.dynamic_gather %add3A_746[%gather3A_768] in [0] : vector<16xf32>, vector<16xi32> -> vector<16xf32>
        %add3A_770 = arith.addf %add3A_746, %gather3A_769 : vector<16xf32>
        %gather3A_771 = vector.shape_cast %reshape3A_439 : vector<16x1xi32> to vector<16xi32>
        %gather3A_772 = tpu.dynamic_gather %add3A_749[%gather3A_771] in [0] : vector<16xf32>, vector<16xi32> -> vector<16xf32>
        %add3A_773 = arith.addf %add3A_749, %gather3A_772 : vector<16xf32>
        %gather3A_774 = vector.shape_cast %reshape3A_439 : vector<16x1xi32> to vector<16xi32>
        %gather3A_775 = tpu.dynamic_gather %add3A_752[%gather3A_774] in [0] : vector<16xf32>, vector<16xi32> -> vector<16xf32>
        %add3A_776 = arith.addf %add3A_752, %gather3A_775 : vector<16xf32>
        %gather3A_777 = vector.shape_cast %reshape3A_439 : vector<16x1xi32> to vector<16xi32>
        %gather3A_778 = tpu.dynamic_gather %add3A_755[%gather3A_777] in [0] : vector<16xf32>, vector<16xi32> -> vector<16xf32>
        %add3A_779 = arith.addf %add3A_755, %gather3A_778 : vector<16xf32>
        %gather3A_780 = vector.shape_cast %reshape3A_439 : vector<16x1xi32> to vector<16xi32>
        %gather3A_781 = tpu.dynamic_gather %add3A_758[%gather3A_780] in [0] : vector<16xf32>, vector<16xi32> -> vector<16xf32>
        %add3A_782 = arith.addf %add3A_758, %gather3A_781 : vector<16xf32>
        %gather3A_783 = vector.shape_cast %reshape3A_439 : vector<16x1xi32> to vector<16xi32>
        %gather3A_784 = tpu.dynamic_gather %add3A_761[%gather3A_783] in [0] : vector<16xf32>, vector<16xi32> -> vector<16xf32>
        %add3A_785 = arith.addf %add3A_761, %gather3A_784 : vector<16xf32>
        %gather3A_786 = vector.shape_cast %reshape3A_439 : vector<16x1xi32> to vector<16xi32>
        %gather3A_787 = tpu.dynamic_gather %add3A_764[%gather3A_786] in [0] : vector<16xf32>, vector<16xi32> -> vector<16xf32>
        %add3A_788 = arith.addf %add3A_764, %gather3A_787 : vector<16xf32>
        %mul3A_789 = arith.constant 1.562500e-02 : f32
        %mul3A_790 = vector.broadcast %mul3A_789 : f32 to vector<16xf32>
        %mul3A_791 = arith.mulf %add3A_767, %mul3A_790 : vector<16xf32>
        %mul3A_792 = arith.constant 1.562500e-02 : f32
        %mul3A_793 = vector.broadcast %mul3A_792 : f32 to vector<16xf32>
        %mul3A_794 = arith.mulf %add3A_770, %mul3A_793 : vector<16xf32>
        %mul3A_795 = arith.mulf %mul3A_791, %mul3A_791 : vector<16xf32>
        %sub3A_796 = arith.subf %mul3A_794, %mul3A_795 : vector<16xf32>
        %add3A_797 = arith.constant 9.99999993E-9 : f32
        %add3A_798 = vector.broadcast %add3A_797 : f32 to vector<16xf32>
        %add3A_799 = arith.addf %sub3A_796, %add3A_798 : vector<16xf32>
        %mul3A_800 = arith.constant 1.562500e-02 : f32
        %mul3A_801 = vector.broadcast %mul3A_800 : f32 to vector<16xf32>
        %mul3A_802 = arith.mulf %add3A_773, %mul3A_801 : vector<16xf32>
        %mul3A_803 = arith.constant 1.562500e-02 : f32
        %mul3A_804 = vector.broadcast %mul3A_803 : f32 to vector<16xf32>
        %mul3A_805 = arith.mulf %add3A_776, %mul3A_804 : vector<16xf32>
        %mul3A_806 = arith.mulf %mul3A_802, %mul3A_802 : vector<16xf32>
        %sub3A_807 = arith.subf %mul3A_805, %mul3A_806 : vector<16xf32>
        %add3A_808 = arith.constant 9.99999993E-9 : f32
        %add3A_809 = vector.broadcast %add3A_808 : f32 to vector<16xf32>
        %add3A_810 = arith.addf %sub3A_807, %add3A_809 : vector<16xf32>
        %mul3A_811 = arith.constant 1.562500e-02 : f32
        %mul3A_812 = vector.broadcast %mul3A_811 : f32 to vector<16xf32>
        %mul3A_813 = arith.mulf %add3A_779, %mul3A_812 : vector<16xf32>
        %mul3A_814 = arith.constant 1.562500e-02 : f32
        %mul3A_815 = vector.broadcast %mul3A_814 : f32 to vector<16xf32>
        %mul3A_816 = arith.mulf %add3A_782, %mul3A_815 : vector<16xf32>
        %mul3A_817 = arith.mulf %mul3A_813, %mul3A_813 : vector<16xf32>
        %sub3A_818 = arith.subf %mul3A_816, %mul3A_817 : vector<16xf32>
        %add3A_819 = arith.constant 9.99999993E-9 : f32
        %add3A_820 = vector.broadcast %add3A_819 : f32 to vector<16xf32>
        %add3A_821 = arith.addf %sub3A_818, %add3A_820 : vector<16xf32>
        %mul3A_822 = arith.constant 1.562500e-02 : f32
        %mul3A_823 = vector.broadcast %mul3A_822 : f32 to vector<16xf32>
        %mul3A_824 = arith.mulf %add3A_785, %mul3A_823 : vector<16xf32>
        %mul3A_825 = arith.constant 1.562500e-02 : f32
        %mul3A_826 = vector.broadcast %mul3A_825 : f32 to vector<16xf32>
        %mul3A_827 = arith.mulf %add3A_788, %mul3A_826 : vector<16xf32>
        %mul3A_828 = arith.mulf %mul3A_824, %mul3A_824 : vector<16xf32>
        %sub3A_829 = arith.subf %mul3A_827, %mul3A_828 : vector<16xf32>
        %add3A_830 = arith.constant 9.99999993E-9 : f32
        %add3A_831 = vector.broadcast %add3A_830 : f32 to vector<16xf32>
        %add3A_832 = arith.addf %sub3A_829, %add3A_831 : vector<16xf32>
        %bitcast_convert_type3A = tpu.bitcast %add3A_799 : vector<16xf32> -> vector<16xi32>
        %shift_right_logical3A_833 = arith.constant 1 : i32
        %shift_right_logical3A_834 = vector.broadcast %shift_right_logical3A_833 : i32 to vector<16xi32>
        %shift_right_logical3A_835 = arith.shrui %bitcast_convert_type3A, %shift_right_logical3A_834 : vector<16xi32>
        %sub3A_836 = arith.constant 1597463007 : i32
        %sub3A_837 = vector.broadcast %sub3A_836 : i32 to vector<16xi32>
        %sub3A_838 = arith.subi %sub3A_837, %shift_right_logical3A_835 : vector<16xi32>
        %bitcast_convert_type3A_839 = tpu.bitcast %sub3A_838 : vector<16xi32> -> vector<16xf32>
        %mul3A_840 = arith.constant 5.000000e-01 : f32
        %mul3A_841 = vector.broadcast %mul3A_840 : f32 to vector<16xf32>
        %mul3A_842 = arith.mulf %mul3A_841, %add3A_799 : vector<16xf32>
        %mul3A_843 = arith.mulf %mul3A_842, %bitcast_convert_type3A_839 : vector<16xf32>
        %mul3A_844 = arith.mulf %mul3A_843, %bitcast_convert_type3A_839 : vector<16xf32>
        %sub3A_845 = arith.constant 1.500000e+00 : f32
        %sub3A_846 = vector.broadcast %sub3A_845 : f32 to vector<16xf32>
        %sub3A_847 = arith.subf %sub3A_846, %mul3A_844 : vector<16xf32>
        %mul3A_848 = arith.mulf %bitcast_convert_type3A_839, %sub3A_847 : vector<16xf32>
        %mul3A_849 = arith.constant 5.000000e-01 : f32
        %mul3A_850 = vector.broadcast %mul3A_849 : f32 to vector<16xf32>
        %mul3A_851 = arith.mulf %mul3A_850, %add3A_799 : vector<16xf32>
        %mul3A_852 = arith.mulf %mul3A_851, %mul3A_848 : vector<16xf32>
        %mul3A_853 = arith.mulf %mul3A_852, %mul3A_848 : vector<16xf32>
        %sub3A_854 = arith.constant 1.500000e+00 : f32
        %sub3A_855 = vector.broadcast %sub3A_854 : f32 to vector<16xf32>
        %sub3A_856 = arith.subf %sub3A_855, %mul3A_853 : vector<16xf32>
        %mul3A_857 = arith.mulf %mul3A_848, %sub3A_856 : vector<16xf32>
        %bitcast_convert_type3A_858 = tpu.bitcast %add3A_810 : vector<16xf32> -> vector<16xi32>
        %shift_right_logical3A_859 = arith.constant 1 : i32
        %shift_right_logical3A_860 = vector.broadcast %shift_right_logical3A_859 : i32 to vector<16xi32>
        %shift_right_logical3A_861 = arith.shrui %bitcast_convert_type3A_858, %shift_right_logical3A_860 : vector<16xi32>
        %sub3A_862 = arith.constant 1597463007 : i32
        %sub3A_863 = vector.broadcast %sub3A_862 : i32 to vector<16xi32>
        %sub3A_864 = arith.subi %sub3A_863, %shift_right_logical3A_861 : vector<16xi32>
        %bitcast_convert_type3A_865 = tpu.bitcast %sub3A_864 : vector<16xi32> -> vector<16xf32>
        %mul3A_866 = arith.constant 5.000000e-01 : f32
        %mul3A_867 = vector.broadcast %mul3A_866 : f32 to vector<16xf32>
        %mul3A_868 = arith.mulf %mul3A_867, %add3A_810 : vector<16xf32>
        %mul3A_869 = arith.mulf %mul3A_868, %bitcast_convert_type3A_865 : vector<16xf32>
        %mul3A_870 = arith.mulf %mul3A_869, %bitcast_convert_type3A_865 : vector<16xf32>
        %sub3A_871 = arith.constant 1.500000e+00 : f32
        %sub3A_872 = vector.broadcast %sub3A_871 : f32 to vector<16xf32>
        %sub3A_873 = arith.subf %sub3A_872, %mul3A_870 : vector<16xf32>
        %mul3A_874 = arith.mulf %bitcast_convert_type3A_865, %sub3A_873 : vector<16xf32>
        %mul3A_875 = arith.constant 5.000000e-01 : f32
        %mul3A_876 = vector.broadcast %mul3A_875 : f32 to vector<16xf32>
        %mul3A_877 = arith.mulf %mul3A_876, %add3A_810 : vector<16xf32>
        %mul3A_878 = arith.mulf %mul3A_877, %mul3A_874 : vector<16xf32>
        %mul3A_879 = arith.mulf %mul3A_878, %mul3A_874 : vector<16xf32>
        %sub3A_880 = arith.constant 1.500000e+00 : f32
        %sub3A_881 = vector.broadcast %sub3A_880 : f32 to vector<16xf32>
        %sub3A_882 = arith.subf %sub3A_881, %mul3A_879 : vector<16xf32>
        %mul3A_883 = arith.mulf %mul3A_874, %sub3A_882 : vector<16xf32>
        %bitcast_convert_type3A_884 = tpu.bitcast %add3A_821 : vector<16xf32> -> vector<16xi32>
        %shift_right_logical3A_885 = arith.constant 1 : i32
        %shift_right_logical3A_886 = vector.broadcast %shift_right_logical3A_885 : i32 to vector<16xi32>
        %shift_right_logical3A_887 = arith.shrui %bitcast_convert_type3A_884, %shift_right_logical3A_886 : vector<16xi32>
        %sub3A_888 = arith.constant 1597463007 : i32
        %sub3A_889 = vector.broadcast %sub3A_888 : i32 to vector<16xi32>
        %sub3A_890 = arith.subi %sub3A_889, %shift_right_logical3A_887 : vector<16xi32>
        %bitcast_convert_type3A_891 = tpu.bitcast %sub3A_890 : vector<16xi32> -> vector<16xf32>
        %mul3A_892 = arith.constant 5.000000e-01 : f32
        %mul3A_893 = vector.broadcast %mul3A_892 : f32 to vector<16xf32>
        %mul3A_894 = arith.mulf %mul3A_893, %add3A_821 : vector<16xf32>
        %mul3A_895 = arith.mulf %mul3A_894, %bitcast_convert_type3A_891 : vector<16xf32>
        %mul3A_896 = arith.mulf %mul3A_895, %bitcast_convert_type3A_891 : vector<16xf32>
        %sub3A_897 = arith.constant 1.500000e+00 : f32
        %sub3A_898 = vector.broadcast %sub3A_897 : f32 to vector<16xf32>
        %sub3A_899 = arith.subf %sub3A_898, %mul3A_896 : vector<16xf32>
        %mul3A_900 = arith.mulf %bitcast_convert_type3A_891, %sub3A_899 : vector<16xf32>
        %mul3A_901 = arith.constant 5.000000e-01 : f32
        %mul3A_902 = vector.broadcast %mul3A_901 : f32 to vector<16xf32>
        %mul3A_903 = arith.mulf %mul3A_902, %add3A_821 : vector<16xf32>
        %mul3A_904 = arith.mulf %mul3A_903, %mul3A_900 : vector<16xf32>
        %mul3A_905 = arith.mulf %mul3A_904, %mul3A_900 : vector<16xf32>
        %sub3A_906 = arith.constant 1.500000e+00 : f32
        %sub3A_907 = vector.broadcast %sub3A_906 : f32 to vector<16xf32>
        %sub3A_908 = arith.subf %sub3A_907, %mul3A_905 : vector<16xf32>
        %mul3A_909 = arith.mulf %mul3A_900, %sub3A_908 : vector<16xf32>
        %bitcast_convert_type3A_910 = tpu.bitcast %add3A_832 : vector<16xf32> -> vector<16xi32>
        %shift_right_logical3A_911 = arith.constant 1 : i32
        %shift_right_logical3A_912 = vector.broadcast %shift_right_logical3A_911 : i32 to vector<16xi32>
        %shift_right_logical3A_913 = arith.shrui %bitcast_convert_type3A_910, %shift_right_logical3A_912 : vector<16xi32>
        %sub3A_914 = arith.constant 1597463007 : i32
        %sub3A_915 = vector.broadcast %sub3A_914 : i32 to vector<16xi32>
        %sub3A_916 = arith.subi %sub3A_915, %shift_right_logical3A_913 : vector<16xi32>
        %bitcast_convert_type3A_917 = tpu.bitcast %sub3A_916 : vector<16xi32> -> vector<16xf32>
        %mul3A_918 = arith.constant 5.000000e-01 : f32
        %mul3A_919 = vector.broadcast %mul3A_918 : f32 to vector<16xf32>
        %mul3A_920 = arith.mulf %mul3A_919, %add3A_832 : vector<16xf32>
        %mul3A_921 = arith.mulf %mul3A_920, %bitcast_convert_type3A_917 : vector<16xf32>
        %mul3A_922 = arith.mulf %mul3A_921, %bitcast_convert_type3A_917 : vector<16xf32>
        %sub3A_923 = arith.constant 1.500000e+00 : f32
        %sub3A_924 = vector.broadcast %sub3A_923 : f32 to vector<16xf32>
        %sub3A_925 = arith.subf %sub3A_924, %mul3A_922 : vector<16xf32>
        %mul3A_926 = arith.mulf %bitcast_convert_type3A_917, %sub3A_925 : vector<16xf32>
        %mul3A_927 = arith.constant 5.000000e-01 : f32
        %mul3A_928 = vector.broadcast %mul3A_927 : f32 to vector<16xf32>
        %mul3A_929 = arith.mulf %mul3A_928, %add3A_832 : vector<16xf32>
        %mul3A_930 = arith.mulf %mul3A_929, %mul3A_926 : vector<16xf32>
        %mul3A_931 = arith.mulf %mul3A_930, %mul3A_926 : vector<16xf32>
        %sub3A_932 = arith.constant 1.500000e+00 : f32
        %sub3A_933 = vector.broadcast %sub3A_932 : f32 to vector<16xf32>
        %sub3A_934 = arith.subf %sub3A_933, %mul3A_931 : vector<16xf32>
        %mul3A_935 = arith.mulf %mul3A_926, %sub3A_934 : vector<16xf32>
        %sub3A_936 = arith.subf %add3A_518, %mul3A_791 : vector<16xf32>
        %mul3A_937 = arith.mulf %sub3A_936, %mul3A_857 : vector<16xf32>
        %mul3A_938 = arith.mulf %mul3A_937, %get3A_3 : vector<16xf32>
        %add3A_939 = arith.addf %mul3A_938, %get3A_11 : vector<16xf32>
        %swap3A = arith.index_cast %rem3A_282 : i32 to index
        %swap3A_940 = arith.index_cast %shift_right_logical3A_470 : i32 to index
        %swap3A_941 = arith.index_cast %add3A_477 : i32 to index
        %swap3A_942 = arith.constant 0 : index
        %swap3A_943 = tpu.vector_load %arg9[%swap3A, %swap3A_940, %swap3A_941, %swap3A_942] {strides = array<i32>} : memref<3x8x64x64xf32, #tpu.memory_space<vmem>>, vector<16xf32>,
        tpu.vector_store %arg9[%swap3A, %swap3A_940, %swap3A_941, %swap3A_942], %add3A_939 {strides = array<i32>} : memref<3x8x64x64xf32, #tpu.memory_space<vmem>>, vector<16xf32>,
        %sub3A_944 = arith.subf %add3A_527, %mul3A_791 : vector<16xf32>
        %mul3A_945 = arith.mulf %sub3A_944, %mul3A_857 : vector<16xf32>
        %mul3A_946 = arith.mulf %mul3A_945, %get3A_5 : vector<16xf32>
        %add3A_947 = arith.addf %mul3A_946, %get3A_13 : vector<16xf32>
        %swap3A_948 = arith.index_cast %rem3A_282 : i32 to index
        %swap3A_949 = arith.index_cast %shift_right_logical3A_470 : i32 to index
        %swap3A_950 = arith.index_cast %add3A_477 : i32 to index
        %swap3A_951 = arith.constant 16 : index
        %swap3A_952 = tpu.vector_load %arg9[%swap3A_948, %swap3A_949, %swap3A_950, %swap3A_951] {strides = array<i32>} : memref<3x8x64x64xf32, #tpu.memory_space<vmem>>, vector<16xf32>,
        tpu.vector_store %arg9[%swap3A_948, %swap3A_949, %swap3A_950, %swap3A_951], %add3A_947 {strides = array<i32>} : memref<3x8x64x64xf32, #tpu.memory_space<vmem>>, vector<16xf32>,
        %sub3A_953 = arith.subf %add3A_536, %mul3A_791 : vector<16xf32>
        %mul3A_954 = arith.mulf %sub3A_953, %mul3A_857 : vector<16xf32>
        %mul3A_955 = arith.mulf %mul3A_954, %get3A_7 : vector<16xf32>
        %add3A_956 = arith.addf %mul3A_955, %get3A_15 : vector<16xf32>
        %swap3A_957 = arith.index_cast %rem3A_282 : i32 to index
        %swap3A_958 = arith.index_cast %shift_right_logical3A_470 : i32 to index
        %swap3A_959 = arith.index_cast %add3A_477 : i32 to index
        %swap3A_960 = arith.constant 32 : index
        %swap3A_961 = tpu.vector_load %arg9[%swap3A_957, %swap3A_958, %swap3A_959, %swap3A_960] {strides = array<i32>} : memref<3x8x64x64xf32, #tpu.memory_space<vmem>>, vector<16xf32>,
        tpu.vector_store %arg9[%swap3A_957, %swap3A_958, %swap3A_959, %swap3A_960], %add3A_956 {strides = array<i32>} : memref<3x8x64x64xf32, #tpu.memory_space<vmem>>, vector<16xf32>,
        %sub3A_962 = arith.subf %add3A_545, %mul3A_791 : vector<16xf32>
        %mul3A_963 = arith.mulf %sub3A_962, %mul3A_857 : vector<16xf32>
        %mul3A_964 = arith.mulf %mul3A_963, %get3A_9 : vector<16xf32>
        %add3A_965 = arith.addf %mul3A_964, %get3A_17 : vector<16xf32>
        %swap3A_966 = arith.index_cast %rem3A_282 : i32 to index
        %swap3A_967 = arith.index_cast %shift_right_logical3A_470 : i32 to index
        %swap3A_968 = arith.index_cast %add3A_477 : i32 to index
        %swap3A_969 = arith.constant 48 : index
        %swap3A_970 = tpu.vector_load %arg9[%swap3A_966, %swap3A_967, %swap3A_968, %swap3A_969] {strides = array<i32>} : memref<3x8x64x64xf32, #tpu.memory_space<vmem>>, vector<16xf32>,
        tpu.vector_store %arg9[%swap3A_966, %swap3A_967, %swap3A_968, %swap3A_969], %add3A_965 {strides = array<i32>} : memref<3x8x64x64xf32, #tpu.memory_space<vmem>>, vector<16xf32>,
        %sub3A_971 = arith.subf %add3A_554, %mul3A_802 : vector<16xf32>
        %mul3A_972 = arith.mulf %sub3A_971, %mul3A_883 : vector<16xf32>
        %mul3A_973 = arith.mulf %mul3A_972, %get3A_3 : vector<16xf32>
        %add3A_974 = arith.addf %mul3A_973, %get3A_11 : vector<16xf32>
        %swap3A_975 = arith.index_cast %rem3A_282 : i32 to index
        %swap3A_976 = arith.index_cast %shift_right_logical3A_470 : i32 to index
        %swap3A_977 = arith.index_cast %add3A_484 : i32 to index
        %swap3A_978 = arith.constant 0 : index
        %swap3A_979 = tpu.vector_load %arg9[%swap3A_975, %swap3A_976, %swap3A_977, %swap3A_978] {strides = array<i32>} : memref<3x8x64x64xf32, #tpu.memory_space<vmem>>, vector<16xf32>,
        tpu.vector_store %arg9[%swap3A_975, %swap3A_976, %swap3A_977, %swap3A_978], %add3A_974 {strides = array<i32>} : memref<3x8x64x64xf32, #tpu.memory_space<vmem>>, vector<16xf32>,
        %sub3A_980 = arith.subf %add3A_563, %mul3A_802 : vector<16xf32>
        %mul3A_981 = arith.mulf %sub3A_980, %mul3A_883 : vector<16xf32>
        %mul3A_982 = arith.mulf %mul3A_981, %get3A_5 : vector<16xf32>
        %add3A_983 = arith.addf %mul3A_982, %get3A_13 : vector<16xf32>
        %swap3A_984 = arith.index_cast %rem3A_282 : i32 to index
        %swap3A_985 = arith.index_cast %shift_right_logical3A_470 : i32 to index
        %swap3A_986 = arith.index_cast %add3A_484 : i32 to index
        %swap3A_987 = arith.constant 16 : index
        %swap3A_988 = tpu.vector_load %arg9[%swap3A_984, %swap3A_985, %swap3A_986, %swap3A_987] {strides = array<i32>} : memref<3x8x64x64xf32, #tpu.memory_space<vmem>>, vector<16xf32>,
        tpu.vector_store %arg9[%swap3A_984, %swap3A_985, %swap3A_986, %swap3A_987], %add3A_983 {strides = array<i32>} : memref<3x8x64x64xf32, #tpu.memory_space<vmem>>, vector<16xf32>,
        %sub3A_989 = arith.subf %add3A_572, %mul3A_802 : vector<16xf32>
        %mul3A_990 = arith.mulf %sub3A_989, %mul3A_883 : vector<16xf32>
        %mul3A_991 = arith.mulf %mul3A_990, %get3A_7 : vector<16xf32>
        %add3A_992 = arith.addf %mul3A_991, %get3A_15 : vector<16xf32>
        %swap3A_993 = arith.index_cast %rem3A_282 : i32 to index
        %swap3A_994 = arith.index_cast %shift_right_logical3A_470 : i32 to index
        %swap3A_995 = arith.index_cast %add3A_484 : i32 to index
        %swap3A_996 = arith.constant 32 : index
        %swap3A_997 = tpu.vector_load %arg9[%swap3A_993, %swap3A_994, %swap3A_995, %swap3A_996] {strides = array<i32>} : memref<3x8x64x64xf32, #tpu.memory_space<vmem>>, vector<16xf32>,
        tpu.vector_store %arg9[%swap3A_993, %swap3A_994, %swap3A_995, %swap3A_996], %add3A_992 {strides = array<i32>} : memref<3x8x64x64xf32, #tpu.memory_space<vmem>>, vector<16xf32>,
        %sub3A_998 = arith.subf %add3A_581, %mul3A_802 : vector<16xf32>
        %mul3A_999 = arith.mulf %sub3A_998, %mul3A_883 : vector<16xf32>
        %mul3A_1000 = arith.mulf %mul3A_999, %get3A_9 : vector<16xf32>
        %add3A_1001 = arith.addf %mul3A_1000, %get3A_17 : vector<16xf32>
        %swap3A_1002 = arith.index_cast %rem3A_282 : i32 to index
        %swap3A_1003 = arith.index_cast %shift_right_logical3A_470 : i32 to index
        %swap3A_1004 = arith.index_cast %add3A_484 : i32 to index
        %swap3A_1005 = arith.constant 48 : index
        %swap3A_1006 = tpu.vector_load %arg9[%swap3A_1002, %swap3A_1003, %swap3A_1004, %swap3A_1005] {strides = array<i32>} : memref<3x8x64x64xf32, #tpu.memory_space<vmem>>, vector<16xf32>,
        tpu.vector_store %arg9[%swap3A_1002, %swap3A_1003, %swap3A_1004, %swap3A_1005], %add3A_1001 {strides = array<i32>} : memref<3x8x64x64xf32, #tpu.memory_space<vmem>>, vector<16xf32>,
        %sub3A_1007 = arith.subf %add3A_590, %mul3A_813 : vector<16xf32>
        %mul3A_1008 = arith.mulf %sub3A_1007, %mul3A_909 : vector<16xf32>
        %mul3A_1009 = arith.mulf %mul3A_1008, %get3A_3 : vector<16xf32>
        %add3A_1010 = arith.addf %mul3A_1009, %get3A_11 : vector<16xf32>
        %swap3A_1011 = arith.index_cast %rem3A_282 : i32 to index
        %swap3A_1012 = arith.index_cast %shift_right_logical3A_470 : i32 to index
        %swap3A_1013 = arith.index_cast %add3A_493 : i32 to index
        %swap3A_1014 = arith.constant 0 : index
        %swap3A_1015 = tpu.vector_load %arg9[%swap3A_1011, %swap3A_1012, %swap3A_1013, %swap3A_1014] {strides = array<i32>} : memref<3x8x64x64xf32, #tpu.memory_space<vmem>>, vector<16xf32>,
        tpu.vector_store %arg9[%swap3A_1011, %swap3A_1012, %swap3A_1013, %swap3A_1014], %add3A_1010 {strides = array<i32>} : memref<3x8x64x64xf32, #tpu.memory_space<vmem>>, vector<16xf32>,
        %sub3A_1016 = arith.subf %add3A_599, %mul3A_813 : vector<16xf32>
        %mul3A_1017 = arith.mulf %sub3A_1016, %mul3A_909 : vector<16xf32>
        %mul3A_1018 = arith.mulf %mul3A_1017, %get3A_5 : vector<16xf32>
        %add3A_1019 = arith.addf %mul3A_1018, %get3A_13 : vector<16xf32>
        %swap3A_1020 = arith.index_cast %rem3A_282 : i32 to index
        %swap3A_1021 = arith.index_cast %shift_right_logical3A_470 : i32 to index
        %swap3A_1022 = arith.index_cast %add3A_493 : i32 to index
        %swap3A_1023 = arith.constant 16 : index
        %swap3A_1024 = tpu.vector_load %arg9[%swap3A_1020, %swap3A_1021, %swap3A_1022, %swap3A_1023] {strides = array<i32>} : memref<3x8x64x64xf32, #tpu.memory_space<vmem>>, vector<16xf32>,
        tpu.vector_store %arg9[%swap3A_1020, %swap3A_1021, %swap3A_1022, %swap3A_1023], %add3A_1019 {strides = array<i32>} : memref<3x8x64x64xf32, #tpu.memory_space<vmem>>, vector<16xf32>,
        %sub3A_1025 = arith.subf %add3A_608, %mul3A_813 : vector<16xf32>
        %mul3A_1026 = arith.mulf %sub3A_1025, %mul3A_909 : vector<16xf32>
        %mul3A_1027 = arith.mulf %mul3A_1026, %get3A_7 : vector<16xf32>
        %add3A_1028 = arith.addf %mul3A_1027, %get3A_15 : vector<16xf32>
        %swap3A_1029 = arith.index_cast %rem3A_282 : i32 to index
        %swap3A_1030 = arith.index_cast %shift_right_logical3A_470 : i32 to index
        %swap3A_1031 = arith.index_cast %add3A_493 : i32 to index
        %swap3A_1032 = arith.constant 32 : index
        %swap3A_1033 = tpu.vector_load %arg9[%swap3A_1029, %swap3A_1030, %swap3A_1031, %swap3A_1032] {strides = array<i32>} : memref<3x8x64x64xf32, #tpu.memory_space<vmem>>, vector<16xf32>,
        tpu.vector_store %arg9[%swap3A_1029, %swap3A_1030, %swap3A_1031, %swap3A_1032], %add3A_1028 {strides = array<i32>} : memref<3x8x64x64xf32, #tpu.memory_space<vmem>>, vector<16xf32>,
        %sub3A_1034 = arith.subf %add3A_617, %mul3A_813 : vector<16xf32>
        %mul3A_1035 = arith.mulf %sub3A_1034, %mul3A_909 : vector<16xf32>
        %mul3A_1036 = arith.mulf %mul3A_1035, %get3A_9 : vector<16xf32>
        %add3A_1037 = arith.addf %mul3A_1036, %get3A_17 : vector<16xf32>
        %swap3A_1038 = arith.index_cast %rem3A_282 : i32 to index
        %swap3A_1039 = arith.index_cast %shift_right_logical3A_470 : i32 to index
        %swap3A_1040 = arith.index_cast %add3A_493 : i32 to index
        %swap3A_1041 = arith.constant 48 : index
        %swap3A_1042 = tpu.vector_load %arg9[%swap3A_1038, %swap3A_1039, %swap3A_1040, %swap3A_1041] {strides = array<i32>} : memref<3x8x64x64xf32, #tpu.memory_space<vmem>>, vector<16xf32>,
        tpu.vector_store %arg9[%swap3A_1038, %swap3A_1039, %swap3A_1040, %swap3A_1041], %add3A_1037 {strides = array<i32>} : memref<3x8x64x64xf32, #tpu.memory_space<vmem>>, vector<16xf32>,
        %sub3A_1043 = arith.subf %add3A_626, %mul3A_824 : vector<16xf32>
        %mul3A_1044 = arith.mulf %sub3A_1043, %mul3A_935 : vector<16xf32>
        %mul3A_1045 = arith.mulf %mul3A_1044, %get3A_3 : vector<16xf32>
        %add3A_1046 = arith.addf %mul3A_1045, %get3A_11 : vector<16xf32>
        %swap3A_1047 = arith.index_cast %rem3A_282 : i32 to index
        %swap3A_1048 = arith.index_cast %shift_right_logical3A_470 : i32 to index
        %swap3A_1049 = arith.index_cast %add3A_502 : i32 to index
        %swap3A_1050 = arith.constant 0 : index
        %swap3A_1051 = tpu.vector_load %arg9[%swap3A_1047, %swap3A_1048, %swap3A_1049, %swap3A_1050] {strides = array<i32>} : memref<3x8x64x64xf32, #tpu.memory_space<vmem>>, vector<16xf32>,
        tpu.vector_store %arg9[%swap3A_1047, %swap3A_1048, %swap3A_1049, %swap3A_1050], %add3A_1046 {strides = array<i32>} : memref<3x8x64x64xf32, #tpu.memory_space<vmem>>, vector<16xf32>,
        %sub3A_1052 = arith.subf %add3A_635, %mul3A_824 : vector<16xf32>
        %mul3A_1053 = arith.mulf %sub3A_1052, %mul3A_935 : vector<16xf32>
        %mul3A_1054 = arith.mulf %mul3A_1053, %get3A_5 : vector<16xf32>
        %add3A_1055 = arith.addf %mul3A_1054, %get3A_13 : vector<16xf32>
        %swap3A_1056 = arith.index_cast %rem3A_282 : i32 to index
        %swap3A_1057 = arith.index_cast %shift_right_logical3A_470 : i32 to index
        %swap3A_1058 = arith.index_cast %add3A_502 : i32 to index
        %swap3A_1059 = arith.constant 16 : index
        %swap3A_1060 = tpu.vector_load %arg9[%swap3A_1056, %swap3A_1057, %swap3A_1058, %swap3A_1059] {strides = array<i32>} : memref<3x8x64x64xf32, #tpu.memory_space<vmem>>, vector<16xf32>,
        tpu.vector_store %arg9[%swap3A_1056, %swap3A_1057, %swap3A_1058, %swap3A_1059], %add3A_1055 {strides = array<i32>} : memref<3x8x64x64xf32, #tpu.memory_space<vmem>>, vector<16xf32>,
        %sub3A_1061 = arith.subf %add3A_644, %mul3A_824 : vector<16xf32>
        %mul3A_1062 = arith.mulf %sub3A_1061, %mul3A_935 : vector<16xf32>
        %mul3A_1063 = arith.mulf %mul3A_1062, %get3A_7 : vector<16xf32>
        %add3A_1064 = arith.addf %mul3A_1063, %get3A_15 : vector<16xf32>
        %swap3A_1065 = arith.index_cast %rem3A_282 : i32 to index
        %swap3A_1066 = arith.index_cast %shift_right_logical3A_470 : i32 to index
        %swap3A_1067 = arith.index_cast %add3A_502 : i32 to index
        %swap3A_1068 = arith.constant 32 : index
        %swap3A_1069 = tpu.vector_load %arg9[%swap3A_1065, %swap3A_1066, %swap3A_1067, %swap3A_1068] {strides = array<i32>} : memref<3x8x64x64xf32, #tpu.memory_space<vmem>>, vector<16xf32>,
        tpu.vector_store %arg9[%swap3A_1065, %swap3A_1066, %swap3A_1067, %swap3A_1068], %add3A_1064 {strides = array<i32>} : memref<3x8x64x64xf32, #tpu.memory_space<vmem>>, vector<16xf32>,
        %sub3A_1070 = arith.subf %add3A_653, %mul3A_824 : vector<16xf32>
        %mul3A_1071 = arith.mulf %sub3A_1070, %mul3A_935 : vector<16xf32>
        %mul3A_1072 = arith.mulf %mul3A_1071, %get3A_9 : vector<16xf32>
        %add3A_1073 = arith.addf %mul3A_1072, %get3A_17 : vector<16xf32>
        %swap3A_1074 = arith.index_cast %rem3A_282 : i32 to index
        %swap3A_1075 = arith.index_cast %shift_right_logical3A_470 : i32 to index
        %swap3A_1076 = arith.index_cast %add3A_502 : i32 to index
        %swap3A_1077 = arith.constant 48 : index
        %swap3A_1078 = tpu.vector_load %arg9[%swap3A_1074, %swap3A_1075, %swap3A_1076, %swap3A_1077] {strides = array<i32>} : memref<3x8x64x64xf32, #tpu.memory_space<vmem>>, vector<16xf32>,
        tpu.vector_store %arg9[%swap3A_1074, %swap3A_1075, %swap3A_1076, %swap3A_1077], %add3A_1073 {strides = array<i32>} : memref<3x8x64x64xf32, #tpu.memory_space<vmem>>, vector<16xf32>,
      }
      %scan3A_445 = arith.constant 128 : i32
      %mul3A_446 = arith.constant 8 : i32
      %mul3A_447 = arith.muli %scan3A_281, %mul3A_446 : i32
      %add3A_448 = arith.addi %mul3A_2, %mul3A_447 : i32
      %dma_start3A_449 = arith.constant 0 : i32
      %dma_start3A_450 = arith.constant 0 : i32
      %dma_start3A_451 = arith.constant 0 : i32
      %dma_start3A_452 = tpu.memref_slice %arg9[%rem3A_282, %dma_start3A_449, %dma_start3A_450, %dma_start3A_451] : memref<3x8x64x64xf32, #tpu.memory_space<vmem>> -> memref<1x8x64x64xf32, #tpu.memory_space<vmem>>
      %dma_start3A_453 = tpu.memref_squeeze %dma_start3A_452 : memref<1x8x64x64xf32, #tpu.memory_space<vmem>> -> memref<8x64x64xf32, #tpu.memory_space<vmem>>
      %dma_start3A_454 = arith.constant 0 : i32
      %dma_start3A_455 = arith.constant 0 : i32
      %dma_start3A_456 = tpu.memref_slice %arg7[%add3A_448, %dma_start3A_454, %dma_start3A_455] : memref<12800x64x64xf32, #tpu.memory_space<hbm>> -> memref<8x64x64xf32, #tpu.memory_space<hbm>>
      %dma_start3A_457 = tpu.memref_slice %arg15[%rem3A_282] : memref<3x!tpu.dma_semaphore, #tpu.memory_space<semaphore_mem>> -> memref<1x!tpu.dma_semaphore, #tpu.memory_space<semaphore_mem>>
      %dma_start3A_458 = tpu.memref_squeeze %dma_start3A_457 : memref<1x!tpu.dma_semaphore, #tpu.memory_space<semaphore_mem>> -> memref<!tpu.dma_semaphore, #tpu.memory_space<semaphore_mem>>
      %dma_start3A_459 = arith.constant 0 : i32
      %dma_start3A_460 = arith.constant 0 : i32
      %dma_start3A_461 = tpu.memref_slice %arg7[%add3A_448, %dma_start3A_459, %dma_start3A_460] : memref<12800x64x64xf32, #tpu.memory_space<hbm>> -> memref<8x64x64xf32, #tpu.memory_space<hbm>>
      %dma_start3A_462 = arith.constant 0 : i32
      %dma_start3A_463 = arith.constant 0 : i32
      %dma_start3A_464 = arith.constant 0 : i32
      %dma_start3A_465 = tpu.memref_slice %arg9[%rem3A_282, %dma_start3A_462, %dma_start3A_463, %dma_start3A_464] : memref<3x8x64x64xf32, #tpu.memory_space<vmem>> -> memref<1x8x64x64xf32, #tpu.memory_space<vmem>>
      %dma_start3A_466 = tpu.memref_squeeze %dma_start3A_465 : memref<1x8x64x64xf32, #tpu.memory_space<vmem>> -> memref<8x64x64xf32, #tpu.memory_space<vmem>>
      tpu.enqueue_dma source(%dma_start3A_466 : memref<8x64x64xf32, #tpu.memory_space<vmem>>) target(%dma_start3A_461 : memref<8x64x64xf32, #tpu.memory_space<hbm>>) target_semaphore(%dma_start3A_458 : memref<!tpu.dma_semaphore, #tpu.memory_space<semaphore_mem>>)
    }
    %scan3A_214 = arith.constant 50 : i32
    %dma_wait3A_215 = arith.constant 0 : i32
    %dma_wait3A_216 = arith.constant 0 : i32
    %dma_wait3A_217 = arith.constant 0 : i32
    %dma_wait3A_218 = arith.constant 0 : i32
    %dma_wait3A_219 = arith.constant 0 : i32
    %dma_wait3A_220 = tpu.memref_slice %arg9[%dma_wait3A_215, %dma_wait3A_217, %dma_wait3A_218, %dma_wait3A_219] : memref<3x8x64x64xf32, #tpu.memory_space<vmem>> -> memref<1x8x64x64xf32, #tpu.memory_space<vmem>>
    %dma_wait3A_221 = tpu.memref_squeeze %dma_wait3A_220 : memref<1x8x64x64xf32, #tpu.memory_space<vmem>> -> memref<8x64x64xf32, #tpu.memory_space<vmem>>
    %dma_wait3A_222 = arith.constant 0 : i32
    %dma_wait3A_223 = arith.constant 0 : i32
    %dma_wait3A_224 = arith.constant 0 : i32
    %dma_wait3A_225 = tpu.memref_slice %arg7[%dma_wait3A_222, %dma_wait3A_223, %dma_wait3A_224] : memref<12800x64x64xf32, #tpu.memory_space<hbm>> -> memref<8x64x64xf32, #tpu.memory_space<hbm>>
    %dma_wait3A_226 = tpu.memref_slice %arg15[%dma_wait3A_216] : memref<3x!tpu.dma_semaphore, #tpu.memory_space<semaphore_mem>> -> memref<1x!tpu.dma_semaphore, #tpu.memory_space<semaphore_mem>>
    %dma_wait3A_227 = tpu.memref_squeeze %dma_wait3A_226 : memref<1x!tpu.dma_semaphore, #tpu.memory_space<semaphore_mem>> -> memref<!tpu.dma_semaphore, #tpu.memory_space<semaphore_mem>>
    %dma_wait3A_228 = arith.constant 0 : i32
    %dma_wait3A_229 = arith.constant 0 : i32
    %dma_wait3A_230 = arith.constant 0 : i32
    %dma_wait3A_231 = tpu.memref_slice %arg7[%dma_wait3A_228, %dma_wait3A_229, %dma_wait3A_230] : memref<12800x64x64xf32, #tpu.memory_space<hbm>> -> memref<8x64x64xf32, #tpu.memory_space<hbm>>
    %dma_wait3A_232 = arith.constant 0 : i32
    %dma_wait3A_233 = arith.constant 0 : i32
    %dma_wait3A_234 = arith.constant 0 : i32
    %dma_wait3A_235 = tpu.memref_slice %arg9[%dma_wait3A_215, %dma_wait3A_232, %dma_wait3A_233, %dma_wait3A_234] : memref<3x8x64x64xf32, #tpu.memory_space<vmem>> -> memref<1x8x64x64xf32, #tpu.memory_space<vmem>>
    %dma_wait3A_236 = tpu.memref_squeeze %dma_wait3A_235 : memref<1x8x64x64xf32, #tpu.memory_space<vmem>> -> memref<8x64x64xf32, #tpu.memory_space<vmem>>
    tpu.wait_dma2 semaphore(%dma_wait3A_227 : memref<!tpu.dma_semaphore, #tpu.memory_space<semaphore_mem>>) src(%dma_wait3A_236 : memref<8x64x64xf32, #tpu.memory_space<vmem>>) dst(%dma_wait3A_231 : memref<8x64x64xf32, #tpu.memory_space<hbm>>)
    %dma_wait3A_237 = arith.constant 1 : i32
    %dma_wait3A_238 = arith.constant 1 : i32
    %dma_wait3A_239 = arith.constant 0 : i32
    %dma_wait3A_240 = arith.constant 0 : i32
    %dma_wait3A_241 = arith.constant 0 : i32
    %dma_wait3A_242 = tpu.memref_slice %arg9[%dma_wait3A_237, %dma_wait3A_239, %dma_wait3A_240, %dma_wait3A_241] : memref<3x8x64x64xf32, #tpu.memory_space<vmem>> -> memref<1x8x64x64xf32, #tpu.memory_space<vmem>>
    %dma_wait3A_243 = tpu.memref_squeeze %dma_wait3A_242 : memref<1x8x64x64xf32, #tpu.memory_space<vmem>> -> memref<8x64x64xf32, #tpu.memory_space<vmem>>
    %dma_wait3A_244 = arith.constant 0 : i32
    %dma_wait3A_245 = arith.constant 0 : i32
    %dma_wait3A_246 = arith.constant 0 : i32
    %dma_wait3A_247 = tpu.memref_slice %arg7[%dma_wait3A_244, %dma_wait3A_245, %dma_wait3A_246] : memref<12800x64x64xf32, #tpu.memory_space<hbm>> -> memref<8x64x64xf32, #tpu.memory_space<hbm>>
    %dma_wait3A_248 = tpu.memref_slice %arg15[%dma_wait3A_238] : memref<3x!tpu.dma_semaphore, #tpu.memory_space<semaphore_mem>> -> memref<1x!tpu.dma_semaphore, #tpu.memory_space<semaphore_mem>>
    %dma_wait3A_249 = tpu.memref_squeeze %dma_wait3A_248 : memref<1x!tpu.dma_semaphore, #tpu.memory_space<semaphore_mem>> -> memref<!tpu.dma_semaphore, #tpu.memory_space<semaphore_mem>>
    %dma_wait3A_250 = arith.constant 0 : i32
    %dma_wait3A_251 = arith.constant 0 : i32
    %dma_wait3A_252 = arith.constant 0 : i32
    %dma_wait3A_253 = tpu.memref_slice %arg7[%dma_wait3A_250, %dma_wait3A_251, %dma_wait3A_252] : memref<12800x64x64xf32, #tpu.memory_space<hbm>> -> memref<8x64x64xf32, #tpu.memory_space<hbm>>
    %dma_wait3A_254 = arith.constant 0 : i32
    %dma_wait3A_255 = arith.constant 0 : i32
    %dma_wait3A_256 = arith.constant 0 : i32
    %dma_wait3A_257 = tpu.memref_slice %arg9[%dma_wait3A_237, %dma_wait3A_254, %dma_wait3A_255, %dma_wait3A_256] : memref<3x8x64x64xf32, #tpu.memory_space<vmem>> -> memref<1x8x64x64xf32, #tpu.memory_space<vmem>>
    %dma_wait3A_258 = tpu.memref_squeeze %dma_wait3A_257 : memref<1x8x64x64xf32, #tpu.memory_space<vmem>> -> memref<8x64x64xf32, #tpu.memory_space<vmem>>
    tpu.wait_dma2 semaphore(%dma_wait3A_249 : memref<!tpu.dma_semaphore, #tpu.memory_space<semaphore_mem>>) src(%dma_wait3A_258 : memref<8x64x64xf32, #tpu.memory_space<vmem>>) dst(%dma_wait3A_253 : memref<8x64x64xf32, #tpu.memory_space<hbm>>)
    %dma_wait3A_259 = arith.constant 2 : i32
    %dma_wait3A_260 = arith.constant 2 : i32
    %dma_wait3A_261 = arith.constant 0 : i32
    %dma_wait3A_262 = arith.constant 0 : i32
    %dma_wait3A_263 = arith.constant 0 : i32
    %dma_wait3A_264 = tpu.memref_slice %arg9[%dma_wait3A_259, %dma_wait3A_261, %dma_wait3A_262, %dma_wait3A_263] : memref<3x8x64x64xf32, #tpu.memory_space<vmem>> -> memref<1x8x64x64xf32, #tpu.memory_space<vmem>>
    %dma_wait3A_265 = tpu.memref_squeeze %dma_wait3A_264 : memref<1x8x64x64xf32, #tpu.memory_space<vmem>> -> memref<8x64x64xf32, #tpu.memory_space<vmem>>
    %dma_wait3A_266 = arith.constant 0 : i32
    %dma_wait3A_267 = arith.constant 0 : i32
    %dma_wait3A_268 = arith.constant 0 : i32
    %dma_wait3A_269 = tpu.memref_slice %arg7[%dma_wait3A_266, %dma_wait3A_267, %dma_wait3A_268] : memref<12800x64x64xf32, #tpu.memory_space<hbm>> -> memref<8x64x64xf32, #tpu.memory_space<hbm>>
    %dma_wait3A_270 = tpu.memref_slice %arg15[%dma_wait3A_260] : memref<3x!tpu.dma_semaphore, #tpu.memory_space<semaphore_mem>> -> memref<1x!tpu.dma_semaphore, #tpu.memory_space<semaphore_mem>>
    %dma_wait3A_271 = tpu.memref_squeeze %dma_wait3A_270 : memref<1x!tpu.dma_semaphore, #tpu.memory_space<semaphore_mem>> -> memref<!tpu.dma_semaphore, #tpu.memory_space<semaphore_mem>>
    %dma_wait3A_272 = arith.constant 0 : i32
    %dma_wait3A_273 = arith.constant 0 : i32
    %dma_wait3A_274 = arith.constant 0 : i32
    %dma_wait3A_275 = tpu.memref_slice %arg7[%dma_wait3A_272, %dma_wait3A_273, %dma_wait3A_274] : memref<12800x64x64xf32, #tpu.memory_space<hbm>> -> memref<8x64x64xf32, #tpu.memory_space<hbm>>
    %dma_wait3A_276 = arith.constant 0 : i32
    %dma_wait3A_277 = arith.constant 0 : i32
    %dma_wait3A_278 = arith.constant 0 : i32
    %dma_wait3A_279 = tpu.memref_slice %arg9[%dma_wait3A_259, %dma_wait3A_276, %dma_wait3A_277, %dma_wait3A_278] : memref<3x8x64x64xf32, #tpu.memory_space<vmem>> -> memref<1x8x64x64xf32, #tpu.memory_space<vmem>>
    %dma_wait3A_280 = tpu.memref_squeeze %dma_wait3A_279 : memref<1x8x64x64xf32, #tpu.memory_space<vmem>> -> memref<8x64x64xf32, #tpu.memory_space<vmem>>
    tpu.wait_dma2 semaphore(%dma_wait3A_271 : memref<!tpu.dma_semaphore, #tpu.memory_space<semaphore_mem>>) src(%dma_wait3A_280 : memref<8x64x64xf32, #tpu.memory_space<vmem>>) dst(%dma_wait3A_275 : memref<8x64x64xf32, #tpu.memory_space<hbm>>)
    return
  }
}

</mosaic_0001>

<sc_bundles>
// kernel: kernel.3.cloned.1.call-start
scs
__scs_entry_jumppad:
0x0: {  	(pc) =	sbr.rel $0x88, $3  }
0x1: {  	(tag) =	ssettag $0x0;
	lr =	simm.s32 $0x1  }
0x2: {  	[smem:$0x3F9C] =	sst lr;
	_ =	strace $0xD0000000  }
0x3: {  	_ = 	snop  }
0x4: {  	_ = 	snop  }
0x5: {  	_ = 	snop  }
0x6: {  	_ = 	snop  }
0x7: {  	_ = 	snop  }
__scs_overlays_trampoline_lowered:
0x8: {  	[smem:$0x3FAB] =	sst s0  }
0x9: {  	[smem:$0x3FAC] =	sst s1  }
0xa: {  	[smem:$0x3FAD] =	sst s2  }
0xb: {  	[smem:$0x3FAE] =	sst s3  }
0xc: {  	[smem:$0x3FAF] =	sst s4  }
0xd: {  	[smem:$0x3FB0] =	sst s5  }
0xe: {  	[smem:$0x3FB1] =	sst s6  }
0xf: {  	[smem:$0x3FB2] =	sst s7  }
0x10: {  	[smem:$0x3FB3] =	sst s8  }
0x11: {  	[smem:$0x3FB4] =	sst s9;
	s0 =	simm.s32 @!p0 $0x0  }
0x12: {  	s1 =	sld [smem:$0x3F9A];
	s0 =	simm.s32 @p0 $0x1  }
0x13: {  	[smem:$0x3FB5] =	sst s0;
	s0 =	simm.s32 @!p1 $0x0  }
0x14: {  	s2 =	sld [smem:$0x3F99];
	s0 =	simm.s32 @p1 $0x1  }
0x15: {  	[smem:$0x3FB6] =	sst s0;
	s0 =	simm.s32 @!p2 $0x0  }
0x16: {  	s3 =	sld [smem:$0x3FDB];
	s0 =	simm.s32 @p2 $0x1  }
0x17: {  	s4 =	simm.s32 $0x1BF5;
	[smem:$0x3FB8] =	sst s0  }
0x18: {  	s0 =	sld [smem:$0x3F9B];
	_ =	swait.ge [sflag:s4], $0x0  }
0x19: {  	s7 =	sld [smem:$0x3F9C]  }
0x1a: {  	s8 =	sadd.s32 $0xFFFFE003, lr  }
0x1b: {  	s9 =	sadd.s32 $0xFFFFFEF7, lr;
	s5 =	simm.s32 $0xFFFFFFFF;
	p2 =	slt.u32 s8, $0xFFFFF086  }
0x1c: {  	p1 =	slt.u32 s9, $0xF7A;
	s5 =	simm.s32 @!p2 $0x0  }
0x1d: {  	s5 =	simm.s32 @p1 $0x1;
	p0 =	seq.s32 s7, s2  }
0x1e: {  	s7 =	smul.u32 @!p0 $0xF7A, s2;
	p2 =	seq.s32 @!p0 s5, $0x0  }
0x1f: {  	s9 =	smul.u32 $0xF7A, s1;
	s8 =	simm.s32 @!p0 $0x1BF5;
	p2 =	por !p2, p0  }
0x20: {  	[sflag:s8] =	ssyncset.s32 @!p0 $0xFFFFF086;
	s6 =	sadd.s32 @!p0 s3, s7;
	s7 =	simm.s32 @!p0 $0x108  }
0x21: {  	s3 =	sadd.s32 s3, s9;
	s6 =	sadd.s32 @!p0 $0x88, s6;
	s7 =	simm.s32 @p2 $0x1082  }
0x22: {  	[simem:s7], [sflag:s8] =	dma.local @!p0 [hbm:s6], $0xF7A  }
0x23: {  	s9 =	sor.u32 $0xD0000000, s2;
	s6 =	simm.s32 $0x108;
	_ =	swait.ge @!p0 [sflag:s8], $0x0  }
0x24: {  	s3 =	sadd.s32 $0x88, s3;
	s6 =	simm.s32 @!p1 $0x1082;
	[sflag:s4] =	ssyncset.s32 $0xFFFFF086  }
0x25: {  	[simem:s6], [sflag:s4] =	dma.local [hbm:s3], $0xF7A  }
0x26: {  	[smem:$0x3F9C] =	sst s1;
	(tag) =	ssettag s2;
	_ =	strace s9  }
0x27: {  	s1 =	sld [smem:$0x3FAC]  }
0x28: {  	s2 =	sld [smem:$0x3FAD]  }
0x29: {  	s4 =	sld [smem:$0x3FAF]  }
0x2a: {  	p0 =	seq.s32 s5, $0x0;
	s5 =	sld [smem:$0x3FB0]  }
0x2b: {  	s6 =	sld [smem:$0x3FB1]  }
0x2c: {  	s7 =	sld [smem:$0x3FB2]  }
0x2d: {  	s3 =	simm.s32 $0x108;
	s8 =	sld [smem:$0x3FB3]  }
0x2e: {  	s3 =	simm.s32 @!p0 $0x1082;
	s9 =	sld [smem:$0x3FB4]  }
0x2f: {  	lr =	sadd.s32 s0, s3;
	s0 =	sld [smem:$0x3FAB]  }
0x30: {  	s3 =	sld [smem:$0x3FAE]  }
0x31: {  	[smem:$0x3FB7] =	sst s10  }
0x32: {  	s10 =	sld [smem:$0x3FB5];
	_ =	sdelay $0x3  }
0x33: {  	p0 =	seq.s32 s10, $0x1;
	s10 =	sld [smem:$0x3FB7];
	_ =	sdelay $0x3  }
0x34: {  	[smem:$0x3FB7] =	sst s10  }
0x35: {  	s10 =	sld [smem:$0x3FB6];
	_ =	sdelay $0x3  }
0x36: {  	p1 =	seq.s32 s10, $0x1;
	s10 =	sld [smem:$0x3FB7];
	_ =	sdelay $0x3  }
0x37: {  	[smem:$0x3FB7] =	sst s10  }
0x38: {  	s10 =	sld [smem:$0x3FB8]  }
0x39: {  	_ = 	snop;
	(pc) =	sbr.ind lr, $3  }
0x3a: {  	_ = 	snop  }
0x3b: {  	_ = 	snop  }
0x3c: {  	p2 =	seq.s32 s10, $0x1;
	s10 =	sld [smem:$0x3FB7]  }
0x3d: {  	_ =	shalt  }
0x3e: {  	_ =	shalt  }
0x3f: {  	_ =	shalt  }
0x40: {  	_ =	shalt  }
0x41: {  	_ =	shalt  }
0x42: {  	_ =	shalt  }
0x43: {  	_ =	shalt  }
0x44: {  	_ =	shalt  }
0x45: {  	_ =	shalt  }
0x46: {  	_ =	shalt  }
0x47: {  	_ =	shalt  }
0x48: {  	_ =	shalt  }
0x49: {  	_ =	shalt  }
0x4a: {  	_ =	shalt  }
0x4b: {  	_ =	shalt  }
0x4c: {  	_ =	shalt  }
0x4d: {  	_ =	shalt  }
0x4e: {  	_ =	shalt  }
0x4f: {  	_ =	shalt  }
0x50: {  	_ =	shalt  }
0x51: {  	_ =	shalt  }
0x52: {  	_ =	shalt  }
0x53: {  	_ =	shalt  }
0x54: {  	_ =	shalt  }
0x55: {  	_ =	shalt  }
0x56: {  	_ =	shalt  }
0x57: {  	_ =	shalt  }
0x58: {  	_ =	shalt  }
0x59: {  	_ =	shalt  }
0x5a: {  	_ =	shalt  }
0x5b: {  	_ =	shalt  }
0x5c: {  	_ =	shalt  }
0x5d: {  	_ =	shalt  }
0x5e: {  	_ =	shalt  }
0x5f: {  	_ =	shalt  }
0x60: {  	_ =	shalt  }
0x61: {  	_ =	shalt  }
0x62: {  	_ =	shalt  }
0x63: {  	_ =	shalt  }
0x64: {  	_ =	shalt  }
0x65: {  	_ =	shalt  }
0x66: {  	_ =	shalt  }
0x67: {  	_ =	shalt  }
0x68: {  	_ =	shalt  }
0x69: {  	_ =	shalt  }
0x6a: {  	_ =	shalt  }
0x6b: {  	_ =	shalt  }
0x6c: {  	_ =	shalt  }
0x6d: {  	_ =	shalt  }
0x6e: {  	_ =	shalt  }
0x6f: {  	_ =	shalt  }
0x70: {  	_ =	shalt  }
0x71: {  	_ =	shalt  }
0x72: {  	_ =	shalt  }
0x73: {  	_ =	shalt  }
0x74: {  	_ =	shalt  }
0x75: {  	_ =	shalt  }
0x76: {  	_ =	shalt  }
0x77: {  	_ =	shalt  }
0x78: {  	_ =	shalt  }
0x79: {  	_ =	shalt  }
0x7a: {  	_ =	shalt  }
0x7b: {  	_ =	shalt  }
0x7c: {  	_ =	shalt  }
0x7d: {  	_ =	shalt  }
0x7e: {  	_ =	shalt  }
0x7f: {  	_ =	shalt  }
0x80: {  	_ =	shalt  }
0x81: {  	_ =	shalt  }
0x82: {  	_ =	shalt  }
0x83: {  	_ =	shalt  }
0x84: {  	_ =	shalt  }
0x85: {  	_ =	shalt  }
0x86: {  	_ =	shalt  }
0x87: {  	_ =	shalt  }
.Lfunc_end0:
.L_simem_size_0:
called_computation.1_lowered:
.L_overlay_start_0:
0x88: {  	s2 =	sld [smem:$0x3FD9]  }
0x89: {  	s3 =	sld [smem:$0x3FFE];
	_ =	sdelay $0x1  }
0x8a: {  	s1 =	srdreg.scid  }
0x8b: {  	s0 =	sand.u32 $0x1, s1  }
0x8c: {  	s17 =	sshll.u32 s0, $0xA;
	s2 =	sadd.s32 s3, s2  }
0x8d: {  	s2 =	sadd.s32 s2, s17  }
0x8e: {  	[smem:$0x3FC3] =	sst s2  }
0x8f: {  	_ = 	snop  }
0x90: {  	s2 =	sld [smem:$0x3FC6]  }
0x91: {  	s18 =	sld [smem:$0x3FC5]  }
0x92: {  	s4 =	sld [smem:$0x3FD0];
	(tm) =	ssettm $0x1  }
0x93: {  	s5 =	sld [smem:$0x3FFB];
	_ =	sdelay $0x3  }
0x94: {  	_ =	strace s5  }
0x95: {  	s5 =	sld [smem:$0x3FFC];
	_ =	sdelay $0x3  }
0x96: {  	_ =	strace s5  }
0x97: {  	s5 =	sld [smem:$0x3FFD];
	_ =	sdelay $0x3  }
0x98: {  	_ =	strace s5  }
0x99: {  	_ =	strace $0x8FFFFFFF  }
0x9a: {  	s19 =	sld [smem:$0x3FDB];
	_ =	sdelay $0x1  }
0x9b: {  	s6 =	simm.s32 $_scs_section_size  }
0x9c: {  	s7 =	simm.s32 $_size__tile_overlayer_lowered;
	s8 =	simm.s32 $_tile_overlayer_lowered  }
0x9d: {  	s22 =	simm.s32 $0x1BFF;
	s21 =	sshll.u32 s8, $0x1;
	s5 =	sadd.s32 s6, s19  }
0x9e: {  	s9 =	simm.s32 $0x0;
	s20 =	sshll.u32 s7, $0x1;
	s7 =	sadd.s32 s21, s5  }
0x9f: {  	[timem:s9], [sflag:s22] =	dma.local [hbm:s7], s20  }
0xa0: {  	_ =	swait.ge [sflag:s22], s20  }
0xa1: {  	s6 =	ssub.s32 $0x0, s20;
	[sflag:s22] =	ssyncset.done $0x0  }
0xa2: {  	[sflag:s22] =	ssyncadd.s32 s6;
	_ =	sdelay $0x1  }
0xa3: {  	s23 =	simm.s32 $0x1B8B  }
0xa4: {  	_ =	swait.ge [sflag:s23], $0x1  }
0xa5: {  	[sflag:s23] =	ssyncset.done $0x0  }
0xa6: {  	s25 =	simm.s32 $0x1B8E;
	s24 =	sld [smem:$0x3FFE];
	[sflag:s23] =	ssyncadd.s32 $0xFFFFFFFF  }
0xa7: {  	s26 =	simm.s32 $execute0_lowered;
	[smem:$0x3FD2] =	sst s25  }
0xa8: {  	s7 =	sshll.u32 s26, $0x1;
	_ =	strace $0x80000046;
	[dreg:$0x1] =	wrdreg $0xFFFFFFFF  }
0xa9: {  	s28 =	simm.s32 $_size_execute0_lowered;
	s5 =	sadd.s32 s5, s7;
	[dreg:$0x0] =	wrdreg $0x0  }
0xaa: {  	s7 =	sshll.u32 s28, $0x1;
	[dreg:$0x2] =	wrdreg s5  }
0xab: {  	[dreg:$0x3] =	wrdreg s7  }
0xac: {  	[dreg:$0x4] =	wrdreg $0xC0  }
0xad: {  	_ =	task [dreg:s9], $0x5FFFF  }
0xae: {  	[dreg:$0x1] =	wrdreg $0xFFFFFFFF  }
0xaf: {  	[dreg:$0x0] =	wrdreg $0x60  }
0xb0: {  	[dreg:$0x2] =	wrdreg s24  }
0xb1: {  	[dreg:$0x3] =	wrdreg s2  }
0xb2: {  	[dreg:$0x4] =	wrdreg s18  }
0xb3: {  	[dreg:$0x5] =	wrdreg s4  }
0xb4: {  	[dreg:$0x6] =	wrdreg $0x9  }
0xb5: {  	_ =	task.clear_ibuf [dreg:s9], $0x7FFFF;
	_ =	strace $0x90000046  }
0xb6: {  	s29 =	simm.s32 $0x9;
	_ =	strace $0x80000048  }
0xb7: {  	_ =	swait.ge [sflag:s29], $0x1  }
0xb8: {  	[sflag:s29] =	ssyncadd.s32 $0xFFFFFFFF  }
0xb9: {  	_ =	strace $0x90000048  }
0xba: {  	_ =	sfence  }
0xbb: {  	s30 =	sld [smem:$0x0];
	_ =	sdelay $0x2  }
0xbc: {  	s31 =	sshll.u32 s1, $0xD;
	s1 =	sshrl.u32 s1, $0x2  }
0xbd: {  	s3 =	sand.u32 $0x4000, s31;
	s1 =	sadd.s32 s1, s30  }
0xbe: {  	s0 =	sor.u32 s3, s0;
	s1 =	sshll.u32 s1, $0x11  }
0xbf: {  	s0 =	sor.u32 s1, s0  }
0xc0: {  	s0 =	sadd.s32 $0x8F2B, s0  }
0xc1: {  	[sflag:s0] =	ssyncadd.remote.s32 $0x1  }
0xc2: {  	_ =	sfence.sel $0xFFFF  }
0xc3: {  	[dreg:$0x0] =	wrdreg $0xFFFFFFFF;
	(pc) =	sbr.abs _section_cstart, $3  }
0xc4: {  	[dreg:$0x1] =	wrdreg $0xFFFFFFFF  }
0xc5: {  	_ =	task.clear_ibuf [dreg:s9], $0x2FFFF;
	_ =	strace $0x9FFFFFFF  }
0xc6: {  	(tm) =	ssettm $0x7FFFFFFF  }
0xc7: {  	_ =	shalt  }
tec
execute0_lowered:
.L_overlay_start_1:
0x0: {  	(tag) =	ssettag $0x1  }
0x1: {  	s0 =	rddreg [dreg:$0x0]  }
0x2: {  	s1 =	srdreg.scid;
	s10 =	stileid.u32  }
0x3: {  	s4 =	rddreg [dreg:$0x3];
	s6 =	simm.s32 $0x0;
	v0 =	vimm.s32 $0xFEDCBA98;
	s13 =	simm.s32 $0xA  }
0x4: {  	v1 =	vimm.s32 $0x76543210;
	v2 =	vimm.s32 $0xBA98FEDC;
	v3 =	vimm.s32 $0x32107654;
	s21 =	simm.s32 $0x1;
	s22 =	simm.s32 $0x40;
	s17 =	simm.s32 $0x7  }
0x5: {  	v4 =	vimm.s32 $0xDCFE98BA;
	v5 =	vimm.s32 $0x54761032;
	s23 =	simm.s32 $0x8;
	s24 =	simm.s32 $0x9;
	s26 =	simm.s32 $0x0  }
0x6: {  	v6 =	vimm.s32 $0xEFCDAB89;
	v7 =	vimm.s32 $0x67452301;
	s1 =	sand.u32 $0x1, s1;
	s2 =	sshll.u32 s10, $0x1;
	s29 =	smul.u32 $0xC800, s10  }
0x7: {  	[smem:$0x7FF] =	sst s6;
	s8 =	sadd.s32 $0xC00, s0;
	s11 =	smul.u32 $0xC80000, s10;
	v0 =	vunpack.c.l.s4.s8 v0;
	v1 =	vunpack.c.l.s4.s8 v1;
	v2 =	vunpack.c.l.s4.s8 v2  }
0x8: {  	s9 =	sadd.s32 $0xF43000, s0;
	s0 =	sadd.s32 $0x19C00, s0;
	v3 =	vunpack.c.l.s4.s8 v3;
	v4 =	vunpack.c.l.s4.s8 v4;
	v5 =	vunpack.c.l.s4.s8 v5;
	s12 =	smul.u32 $0x6400, s1  }
0x9: {  	v6 =	vunpack.c.l.s4.s8 v6;
	v7 =	vunpack.c.l.s4.s8 v7;
	s2 =	sor.u32 s1, s2;
	s30 =	ssub.s32 $0x2, s1;
	s1 =	smul.u32 $0x640000, s1;
	v0 =	vunpack.c.0.s8.s32 v0  }
0xa: {  	_ =	strace $0x80000047;
	[dreg:$0x5] =	wrdreg s0;
	s3 =	smul.u32 $0xC80, s2;
	v2 =	vunpack.c.0.s8.s32 v2;
	v3 =	vunpack.c.0.s8.s32 v3;
	v4 =	vunpack.c.0.s8.s32 v4  }
0xb: {  	s5 =	smul.u32 $0x190, s2;
	s14 =	sshrl.u32 s30, $0x1;
	v5 =	vunpack.c.0.s8.s32 v5;
	v6 =	vunpack.c.0.s8.s32 v6;
	v7 =	vunpack.c.0.s8.s32 v7;
	s31 =	sadd.s32 s12, s29  }
0xc: {  	v1 =	vunpack.c.0.s8.s32 v1;
	s0 =	ssub.s32 s30, s14;
	s3 =	sadd.s32 s8, s3;
	[dreg:$0x9] =	wrdreg s31;
	v2 =	vcombine.low v3, v2  }
0xd: {  	s7 =	smul.u32 $0x6400, s2;
	s0 =	smax.u32 s0, $0x1;
	v3 =	vcombine.low v5, v4;
	v4 =	vcombine.low v7, v6;
	v0 =	vand.u32 $0xF, v0;
	[dreg:$0x6] =	wrdreg s3  }
0xe: {  	s11 =	sshrl.u32 s11, $0x2;
	s3 =	sadd.s32 $0x40, s3;
	[dreg:$0x8] =	wrdreg s0;
	v0 =	vcombine.low v0, v1  }
0xf: {  	s11 =	sor.u32 $0x18600, s11;
	s25 =	sshrl.u32 s1, $0x2;
	[dreg:$0x7] =	wrdreg s3;
	v1 =	vand.u32 $0xF, v2;
	v2 =	vand.u32 $0xF, v3;
	v3 =	vand.u32 $0xF, v4  }
.LBB2_1:
0x10: {  	s0 =	rddreg [dreg:$0x5];
	s1 =	simm.s32 $0x18600  }
0x11: {  	[tilespmem:s1], [sflag:$0xA] =	stream.linear.gather [hbm4b:s0+s6], $0x3200, $0x38;
	[tilespmem:$0x1B880] =	vst v63  }
0x12: {  	_ =	swait.ge [sflag:s13], $0x3200  }
0x13: {  	[sflag:s13] =	ssyncset.done $0x0  }
0x14: {  	[sflag:s13] =	ssyncadd.s32 $0xFFFFCE00  }
0x15: {  	s15 =	simm.s32 $0x1B800;
	s14 =	rddreg [dreg:$0x1]  }
0x16: {  	[tilespmem:s15], [sflag:$0xA] =	stream.linear.gather [hbm4b:s14+s6], $0x40, $0x38;
	[tilespmem:$0x1B880] =	vst v63  }
0x17: {  	_ =	swait.ge [sflag:s13], $0x40  }
0x18: {  	[sflag:s13] =	ssyncset.done $0x0  }
0x19: {  	[sflag:s13] =	ssyncadd.s32 $0xFFFFFFC0  }
0x1a: {  	s18 =	simm.s32 $0x1B840;
	s16 =	rddreg [dreg:$0x2]  }
0x1b: {  	[tilespmem:s18], [sflag:$0xA] =	stream.linear.gather [hbm4b:s16+s6], $0x40, $0x38;
	[tilespmem:$0x1B880] =	vst v63  }
0x1c: {  	_ =	swait.ge [sflag:s13], $0x40  }
0x1d: {  	[sflag:s13] =	ssyncset.done $0x0  }
0x1e: {  	[sflag:s13] =	ssyncadd.s32 $0xFFFFFFC0  }
0x1f: {  	v4 =	vld [tilespmem:$0x1B800]  }
0x20: {  	v5 =	vld [tilespmem:$0x1B810]  }
0x21: {  	v6 =	vld [tilespmem:$0x1B820]  }
0x22: {  	v7 =	vld [tilespmem:$0x1B830]  }
0x23: {  	v8 =	vld [tilespmem:$0x1B840]  }
0x24: {  	v9 =	vld [tilespmem:$0x1B850]  }
0x25: {  	s19 =	rddreg [dreg:$0x6];
	v10 =	vld [tilespmem:$0x1B860]  }
0x26: {  	v11 =	vld [tilespmem:$0x1B870];
	[tilespmem:s6], [sflag:$0x1] =	stream.linear.gather [hbm4b:s19+s6], $0x200, $0x38  }
0x27: {  	s20 =	simm.s32 $0x200;
	s30 =	rddreg [dreg:$0x7]  }
0x28: {  	[tilespmem:s20], [sflag:$0x2] =	stream.linear.gather [hbm4b:s30+s6], $0x200, $0x38;
	[tilespmem:$0x1B880] =	vst v63  }
0x29: {  	_ =	swait.ge [sflag:s21], $0x200  }
0x2a: {  	[sflag:s21] =	ssyncset.done $0x0  }
0x2b: {  	s31 =	simm.s32 $0x600;
	[sflag:s21] =	ssyncadd.s32 $0xFFFFFE00  }
0x2c: {  	[tilespmem:s31], [sflag:$0x4] =	stream.indirect.gather [hbm4b:s9+s22], $0x40, s6, s22, $0xb8;
	[tilespmem:$0x1B880] =	vst v63  }
0x2d: {  	s1 =	simm.s32 $0x1600  }
0x2e: {  	[tilespmem:s1], [sflag:$0x4] =	stream.indirect.gather [hbm4b:s9+s22], $0x40, s22, s22, $0xb8;
	[tilespmem:$0x1B880] =	vst v63  }
0x2f: {  	s2 =	simm.s32 $0x80;
	s3 =	simm.s32 $0x2600  }
0x30: {  	[tilespmem:s3], [sflag:$0x4] =	stream.indirect.gather [hbm4b:s9+s22], $0x40, s2, s22, $0xb8;
	[tilespmem:$0x1B880] =	vst v63  }
0x31: {  	s10 =	simm.s32 $0xC0;
	s12 =	simm.s32 $0x3600  }
0x32: {  	[tilespmem:s12], [sflag:$0x4] =	stream.indirect.gather [hbm4b:s9+s22], $0x40, s10, s22, $0xb8;
	[tilespmem:$0x1B880] =	vst v63  }
0x33: {  	s14 =	simm.s32 $0x100;
	s15 =	simm.s32 $0x4600  }
0x34: {  	[tilespmem:s15], [sflag:$0x4] =	stream.indirect.gather [hbm4b:s9+s22], $0x40, s14, s22, $0xb8;
	[tilespmem:$0x1B880] =	vst v63  }
0x35: {  	s28 =	simm.s32 $0x0;
	s16 =	simm.s32 $0x140;
	s18 =	simm.s32 $0x5600  }
0x36: {  	[tilespmem:s18], [sflag:$0x4] =	stream.indirect.gather [hbm4b:s9+s22], $0x40, s16, s22, $0xb8;
	[tilespmem:$0x1B880] =	vst v63  }
0x37: {  	s0 =	simm.s32 $0x0;
	s19 =	simm.s32 $0x180;
	s20 =	simm.s32 $0x6600  }
0x38: {  	[tilespmem:s20], [sflag:$0x4] =	stream.indirect.gather [hbm4b:s9+s22], $0x40, s19, s22, $0xb8;
	[tilespmem:$0x1B880] =	vst v63  }
0x39: {  	s30 =	simm.s32 $0x1C0;
	s29 =	rddreg [dreg:$0x9];
	s31 =	simm.s32 $0x7600  }
0x3a: {  	[tilespmem:s31], [sflag:$0x4] =	stream.indirect.gather [hbm4b:s9+s22], $0x40, s30, s22, $0xb8;
	[tilespmem:$0x1B880] =	vst v63  }
.LBB2_2:
0x3b: {  	s1 =	smul.u32 $0xAB, s0;
	_ =	sdelay $0x1  }
0x3c: {  	s2 =	sadd.s32 $0xAB, s1  }
0x3d: {  	p0 =	slt.u32 s0, $0x30;
	s2 =	sshrl.u32 s2, $0x9  }
.Ltmp0:
0x3e: {  	s2 =	sand.u32 $0x7F, s2;
	(pc) =	sbr.rel @!p0 .LBB2_3-.Ltmp0, $4  }
0x3f: {  	s2 =	smul.u32 $0x3, s2  }
0x40: {  	s30 =	sadd.s32 $0x1, s0  }
0x41: {  	s2 =	ssub.s32 s30, s2  }
0x42: {  	s2 =	sand.u32 $0xFF, s2  }
0x43: {  	s12 =	sadd.s32 $0x2, s0  }
0x44: {  	s15 =	smul.u32 $0xAB, s12;
	_ =	sdelay $0x1  }
0x45: {  	s15 =	sshrl.u32 s15, $0x9  }
0x46: {  	s15 =	sand.u32 $0x7F, s15  }
0x47: {  	s15 =	smul.u32 $0x3, s15  }
0x48: {  	s16 =	sshll.u32 s12, $0x9  }
0x49: {  	s16 =	sadd.s32 s7, s16;
	s12 =	ssub.s32 s12, s15  }
0x4a: {  	p0 =	slt.u32 s0, $0x2;
	s19 =	sshrl.u32 s16, $0x3;
	s12 =	sand.u32 $0xFF, s12  }
0x4b: {  	s15 =	sadd.s32 s8, s19;
	s20 =	sshll.u32 s12, $0x9;
	s12 =	sadd.s32 $0x1, s12  }
0x4c: {  	[tilespmem:s20], [sflag:s12] =	stream.linear.gather [hbm4b:s15+s6], $0x200, $0x38;
	[tilespmem:$0x1B880] =	vst v63  }
.Ltmp1:
0x4d: {  	_ = 	snop;
	(pc) =	sbr.rel @p0 .LBB2_7-.Ltmp1, $4  }
.Ltmp2:
0x4e: {  	s31 =	sadd.s32 $0x1, s2;
	(pc) =	sbr.rel @!p0 .LBB2_6-.Ltmp2, $4  }
0x4f: {  	_ =	swait.ge [sflag:s31], $0x200  }
0x50: {  	[sflag:s31] =	ssyncset.done $0x0  }
0x51: {  	[sflag:s31] =	ssyncadd.s32 $0xFFFFFE00  }
0x52: {  	_ = 	snop  }
.LBB2_3:
0x53: {  	p0 =	seq.s32 s0, $0x31  }
.Ltmp3:
0x54: {  	_ = 	snop;
	(pc) =	sbr.rel @p0 .LBB2_8-.Ltmp3, $1  }
0x55: {  	_ =	sdelay $0x3  }
0x56: {  	s12 =	sadd.s32 $0x1, s2  }
0x57: {  	_ =	swait.ge [sflag:s12], $0x200  }
0x58: {  	[sflag:s12] =	ssyncset.done $0x0  }
0x59: {  	[sflag:s12] =	ssyncadd.s32 $0xFFFFFE00  }
.LBB2_6:
0x5a: {  	s12 =	sadd.s32 $0x7, s2  }
0x5b: {  	_ =	swait.ge [sflag:s12], $0x8000  }
0x5c: {  	[sflag:s12] =	ssyncset.done $0x0  }
0x5d: {  	[sflag:s12] =	ssyncadd.s32 $0xFFFF8000  }
.LBB2_7:
0x5e: {  	s12 =	sshll.u32 s2, $0xF  }
0x5f: {  	s16 =	sshll.u32 s2, $0x9;
	s2 =	sadd.s32 $0x4, s2;
	s15 =	sor.u32 $0x600, s12  }
0x60: {  	[tilespmem:s15], [sflag:s2] =	stream.indirect.gather [hbm4b:s9+s22], $0x40, s16, s22, $0xb8;
	[tilespmem:$0x1B880] =	vst v63  }
0x61: {  	s3 =	sor.u32 $0x1600, s12;
	s20 =	sor.u32 $0x40, s16  }
0x62: {  	[tilespmem:s3], [sflag:s2] =	stream.indirect.gather [hbm4b:s9+s22], $0x40, s20, s22, $0xb8;
	[tilespmem:$0x1B880] =	vst v63  }
0x63: {  	s10 =	sor.u32 $0x2600, s12;
	s14 =	sor.u32 $0x80, s16  }
0x64: {  	[tilespmem:s10], [sflag:s2] =	stream.indirect.gather [hbm4b:s9+s22], $0x40, s14, s22, $0xb8;
	[tilespmem:$0x1B880] =	vst v63  }
0x65: {  	s18 =	sor.u32 $0x3600, s12;
	s19 =	sor.u32 $0xC0, s16  }
0x66: {  	[tilespmem:s18], [sflag:s2] =	stream.indirect.gather [hbm4b:s9+s22], $0x40, s19, s22, $0xb8;
	[tilespmem:$0x1B880] =	vst v63  }
0x67: {  	s31 =	sor.u32 $0x4600, s12;
	s3 =	sor.u32 $0x100, s16  }
0x68: {  	[tilespmem:s31], [sflag:s2] =	stream.indirect.gather [hbm4b:s9+s22], $0x40, s3, s22, $0xb8;
	[tilespmem:$0x1B880] =	vst v63  }
0x69: {  	s10 =	sor.u32 $0x5600, s12;
	s14 =	sor.u32 $0x140, s16  }
0x6a: {  	[tilespmem:s10], [sflag:s2] =	stream.indirect.gather [hbm4b:s9+s22], $0x40, s14, s22, $0xb8;
	[tilespmem:$0x1B880] =	vst v63  }
0x6b: {  	s18 =	sor.u32 $0x6600, s12;
	s19 =	sor.u32 $0x180, s16  }
0x6c: {  	[tilespmem:s18], [sflag:s2] =	stream.indirect.gather [hbm4b:s9+s22], $0x40, s19, s22, $0xb8;
	[tilespmem:$0x1B880] =	vst v63  }
0x6d: {  	s12 =	sor.u32 $0x7600, s12;
	s31 =	sor.u32 $0x1C0, s16  }
0x6e: {  	[tilespmem:s12], [sflag:s2] =	stream.indirect.gather [hbm4b:s9+s22], $0x40, s31, s22, $0xb8;
	[tilespmem:$0x1B880] =	vst v63  }
.LBB2_8:
0x6f: {  	s1 =	sshrl.u32 s1, $0x9  }
0x70: {  	s1 =	sand.u32 $0x7F, s1  }
0x71: {  	s1 =	smul.u32 $0x3, s1;
	_ =	sdelay $0x1  }
0x72: {  	s1 =	ssub.s32 s0, s1  }
0x73: {  	s31 =	sand.u32 $0xFF, s1  }
0x74: {  	s1 =	sadd.s32 $0x4, s31  }
0x75: {  	_ =	swait.ge [sflag:s1], $0x1000  }
0x76: {  	[sflag:s1] =	ssyncset.done $0x0  }
0x77: {  	[sflag:s1] =	ssyncadd.s32 $0xFFFFF000  }
0x78: {  	_ =	swait.ge [sflag:s1], $0x1000  }
0x79: {  	[sflag:s1] =	ssyncset.done $0x0  }
0x7a: {  	[sflag:s1] =	ssyncadd.s32 $0xFFFFF000  }
0x7b: {  	_ =	swait.ge [sflag:s1], $0x1000  }
0x7c: {  	[sflag:s1] =	ssyncset.done $0x0  }
0x7d: {  	[sflag:s1] =	ssyncadd.s32 $0xFFFFF000  }
0x7e: {  	_ =	swait.ge [sflag:s1], $0x1000  }
0x7f: {  	[sflag:s1] =	ssyncset.done $0x0  }
0x80: {  	[sflag:s1] =	ssyncadd.s32 $0xFFFFF000  }
0x81: {  	_ =	swait.ge [sflag:s1], $0x1000  }
0x82: {  	[sflag:s1] =	ssyncset.done $0x0  }
0x83: {  	[sflag:s1] =	ssyncadd.s32 $0xFFFFF000  }
0x84: {  	_ =	swait.ge [sflag:s1], $0x1000  }
0x85: {  	[sflag:s1] =	ssyncset.done $0x0  }
0x86: {  	[sflag:s1] =	ssyncadd.s32 $0xFFFFF000  }
0x87: {  	_ =	swait.ge [sflag:s1], $0x1000  }
0x88: {  	[sflag:s1] =	ssyncset.done $0x0  }
0x89: {  	s20 =	sshll.u32 s0, $0x3;
	s12 =	simm.s32 $0x0;
	[sflag:s1] =	ssyncadd.s32 $0xFFFFF000  }
0x8a: {  	s15 =	simm.s32 $0x0;
	s0 =	sadd.s32 s5, s20;
	_ =	swait.ge [sflag:s1], $0x1000  }
0x8b: {  	s20 =	smov.u32 s29;
	s2 =	sshll.u32 s31, $0xF;
	[sflag:s1] =	ssyncset.done $0x0  }
0x8c: {  	s2 =	sor.u32 $0x600, s2;
	[sflag:s1] =	ssyncadd.s32 $0xFFFFF000;
	s1 =	simm.s32 $0x0  }
.LBB2_9:
0x8d: {  	s18 =	sand.u32 $0x7000, s12  }
0x8e: {  	s19 =	sand.u32 $0xF00, s12;
	s18 =	sadd.s32 s18, s2  }
0x8f: {  	s18 =	sadd.s32 s19, s18  }
0x90: {  	v12 =	vld [tilespmem:s18+$0x0]  }
0x91: {  	v14 =	vld [tilespmem:s18+$0x10]  }
0x92: {  	v16 =	vld [tilespmem:s18+$0x20]  }
0x93: {  	s16 =	smulhi.u32 $0x51EB851F, s20;
	v18 =	vld [tilespmem:s18+$0x30]  }
0x94: {  	v20 =	vld [tilespmem:s18+$0x40]  }
0x95: {  	s10 =	sshrl.u32 s16, $0x6;
	v22 =	vld [tilespmem:s18+$0x50]  }
0x96: {  	s16 =	smul.u32 $0xFFFF3800, s10;
	v33 =	vld [tilespmem:s18+$0x80]  }
0x97: {  	v35 =	vld [tilespmem:s18+$0x90]  }
0x98: {  	v37 =	vld [tilespmem:s18+$0xA0];
	s16 =	sshra.s32 s16, $0x2  }
0x99: {  	v39 =	vld [tilespmem:s18+$0xB0];
	s16 =	sadd.s32 s16, s11  }
0x9a: {  	s3 =	sshra.s32 s28, $0x2;
	v41 =	vld [tilespmem:s18+$0xC0];
	s14 =	sadd.s32 s25, s16  }
0x9b: {  	s19 =	sshra.s32 s15, $0x2;
	v43 =	vld [tilespmem:s18+$0xD0];
	s3 =	sadd.s32 s3, s14  }
0x9c: {  	v63 =	vld [tilespmem:s18+$0xE0];
	s3 =	sadd.s32 s19, s3  }
0x9d: {  	v13 =	vld [tilespmem:s3+$0x0]  }
0x9e: {  	v15 =	vld [tilespmem:s3+$0x10]  }
0x9f: {  	v17 =	vld [tilespmem:s3+$0x20]  }
0xa0: {  	v19 =	vld [tilespmem:s3+$0x30]  }
0xa1: {  	s10 =	smul.u32 $0xC8, s10;
	v34 =	vld [tilespmem:s3+$0x80]  }
0xa2: {  	v36 =	vld [tilespmem:s3+$0x90]  }
0xa3: {  	s10 =	ssub.s32 s1, s10;
	v38 =	vld [tilespmem:s3+$0xA0]  }
0xa4: {  	s10 =	sadd.s32 s10, s29;
	v40 =	vld [tilespmem:s3+$0xB0]  }
0xa5: {  	p0 =	sgt.u32 s10, $0xC6;
	s14 =	simm.s32 $0xFFFF39;
	v42 =	vld [tilespmem:s3+$0xC0]  }
0xa6: {  	s14 =	simm.s32 @!p0 $0x1;
	v62 =	vld [tilespmem:s3+$0xD0]  }
0xa7: {  	s10 =	sadd.s32 s14, s10;
	v44 =	vld [tilespmem:s3+$0xE0];
	v27 =	vadd.f32 v13, v12  }
0xa8: {  	v29 =	vld [tilespmem:s18+$0x60];
	s10 =	sshll.u32 s10, $0x8;
	v26 =	vadd.f32 v15, v14;
	v25 =	vadd.f32 v17, v16  }
0xa9: {  	v31 =	vld [tilespmem:s18+$0x70];
	s10 =	sshra.s32 s10, $0x2;
	v24 =	vadd.f32 v19, v18;
	v19 =	vadd.f32 v34, v33  }
0xaa: {  	v21 =	vld [tilespmem:s10+$0x18600];
	v18 =	vadd.f32 v36, v35;
	v17 =	vadd.f32 v38, v37  }
0xab: {  	v28 =	vld [tilespmem:s10+$0x18610];
	v16 =	vadd.f32 v40, v39;
	v15 =	vadd.f32 v42, v41  }
0xac: {  	v30 =	vld [tilespmem:s10+$0x18620];
	v13 =	vadd.f32 v62, v43;
	v12 =	vadd.f32 v44, v63  }
0xad: {  	v32 =	vld [tilespmem:s10+$0x18630];
	v39 =	vadd.f32 v26, v27;
	v40 =	vadd.f32 v24, v25  }
0xae: {  	v34 =	vadd.f32 v18, v19;
	v45 =	vmul.f32 v27, v27;
	v46 =	vmul.f32 v26, v26  }
0xaf: {  	v43 =	vadd.f32 v16, v17;
	v48 =	vmul.f32 v25, v25;
	v49 =	vmul.f32 v24, v24  }
0xb0: {  	v37 =	vld [tilespmem:s18+$0xF0];
	v44 =	vadd.f32 v13, v15;
	v54 =	vmul.f32 v19, v19;
	v55 =	vmul.f32 v18, v18  }
0xb1: {  	v38 =	vld [tilespmem:s3+$0xF0];
	v56 =	vmul.f32 v17, v17;
	v23 =	vadd.f32 v21, v20;
	v22 =	vadd.f32 v28, v22  }
0xb2: {  	v57 =	vmul.f32 v15, v15;
	v21 =	vadd.f32 v30, v29;
	v20 =	vadd.f32 v32, v31  }
0xb3: {  	v58 =	vmul.f32 v13, v13;
	v28 =	vadd.f32 v40, v39;
	v30 =	vadd.f32 v43, v34  }
0xb4: {  	v59 =	vmul.f32 v12, v12;
	v32 =	vadd.f32 v46, v45;
	v35 =	vadd.f32 v49, v48  }
0xb5: {  	v40 =	vmul.f32 v16, v16;
	v34 =	vadd.f32 v55, v54;
	v41 =	vadd.f32 v22, v23  }
0xb6: {  	v42 =	vadd.f32 v20, v21;
	v14 =	vadd.f32 v38, v37;
	v50 =	vmul.f32 v23, v23  }
0xb7: {  	v51 =	vmul.f32 v22, v22;
	v52 =	vmul.f32 v21, v21;
	v37 =	vadd.f32 v58, v57  }
0xb8: {  	v53 =	vmul.f32 v20, v20;
	v32 =	vadd.f32 v35, v32;
	v35 =	vadd.f32 v40, v56  }
0xb9: {  	v61 =	vperm.xlane v28, v0;
	v29 =	vadd.f32 v42, v41;
	v47 =	vadd.f32 v14, v12  }
0xba: {  	v43 =	vperm.xlane v30, v0;
	v33 =	vadd.f32 v51, v50;
	v36 =	vadd.f32 v53, v52  }
0xbb: {  	v60 =	vmul.f32 v14, v14;
	v34 =	vadd.f32 v35, v34;
	v28 =	vadd.f32 v61, v28  }
0xbc: {  	v62 =	vperm.xlane v32, v0;
	v30 =	vadd.f32 v43, v30;
	v31 =	vadd.f32 v47, v44  }
0xbd: {  	v38 =	vadd.f32 v60, v59;
	v33 =	vadd.f32 v36, v33  }
0xbe: {  	v41 =	vperm.xlane v29, v0;
	v32 =	vadd.f32 v62, v32;
	v44 =	vperm.xlane v34, v0  }
0xbf: {  	v47 =	vperm.xlane v28, v1;
	v51 =	vperm.xlane v30, v1;
	v63 =	vadd.f32 v38, v37  }
0xc0: {  	v42 =	vperm.xlane v33, v0;
	v29 =	vadd.f32 v41, v29;
	v45 =	vperm.xlane v31, v0  }
0xc1: {  	v34 =	vadd.f32 v44, v34;
	v48 =	vperm.xlane v32, v1;
	v28 =	vadd.f32 v47, v28  }
0xc2: {  	v30 =	vadd.f32 v51, v30;
	v33 =	vadd.f32 v42, v33;
	v46 =	vperm.xlane v63, v0  }
0xc3: {  	v31 =	vadd.f32 v45, v31;
	v49 =	vperm.xlane v29, v1;
	v52 =	vperm.xlane v34, v1  }
0xc4: {  	v32 =	vadd.f32 v48, v32;
	v55 =	vperm.xlane v28, v2;
	v59 =	vperm.xlane v30, v2  }
0xc5: {  	v35 =	vadd.f32 v46, v63;
	v50 =	vperm.xlane v33, v1;
	v29 =	vadd.f32 v49, v29  }
0xc6: {  	v53 =	vperm.xlane v31, v1;
	v34 =	vadd.f32 v52, v34;
	v28 =	vadd.f32 v55, v28  }
0xc7: {  	v56 =	vperm.xlane v32, v2;
	v30 =	vadd.f32 v59, v30;
	v33 =	vadd.f32 v50, v33  }
0xc8: {  	v54 =	vperm.xlane v35, v1;
	v31 =	vadd.f32 v53, v31;
	v57 =	vperm.xlane v29, v2  }
0xc9: {  	v32 =	vadd.f32 v56, v32;
	v60 =	vperm.xlane v34, v2;
	v63 =	vperm.xlane v28, v3  }
0xca: {  	v45 =	vperm.xlane v30, v3;
	v35 =	vadd.f32 v54, v35;
	v58 =	vperm.xlane v33, v2  }
0xcb: {  	v29 =	vadd.f32 v57, v29;
	v61 =	vperm.xlane v31, v2;
	v34 =	vadd.f32 v60, v34  }
0xcc: {  	v42 =	vperm.xlane v32, v3;
	v28 =	vadd.f32 v63, v28;
	v30 =	vadd.f32 v45, v30  }
0xcd: {  	v33 =	vadd.f32 v58, v33;
	v62 =	vperm.xlane v35, v2;
	v31 =	vadd.f32 v61, v31  }
0xce: {  	v43 =	vperm.xlane v29, v3;
	v32 =	vadd.f32 v42, v32;
	v46 =	vperm.xlane v34, v3  }
0xcf: {  	v28 =	vmul.f32 $1.562500000e-02, v28;
	v30 =	vmul.f32 $1.562500000e-02, v30;
	v35 =	vadd.f32 v62, v35  }
0xd0: {  	v44 =	vperm.xlane v33, v3;
	v29 =	vadd.f32 v43, v29;
	v47 =	vperm.xlane v31, v3  }
0xd1: {  	v32 =	vmul.f32 $1.562500000e-02, v32;
	v34 =	vadd.f32 v46, v34;
	v49 =	vmul.f32 v28, v28  }
0xd2: {  	v51 =	vmul.f32 v30, v30;
	v27 =	vsub.f32 v27, v28;
	v33 =	vadd.f32 v44, v33  }
0xd3: {  	v48 =	vperm.xlane v35, v3;
	v29 =	vmul.f32 $1.562500000e-02, v29;
	v31 =	vadd.f32 v47, v31  }
0xd4: {  	v34 =	vmul.f32 $1.562500000e-02, v34;
	v32 =	vsub.f32 v32, v49;
	v33 =	vmul.f32 $1.562500000e-02, v33  }
0xd5: {  	v50 =	vmul.f32 v29, v29;
	v35 =	vadd.f32 v48, v35;
	v31 =	vmul.f32 $1.562500000e-02, v31  }
0xd6: {  	v34 =	vsub.f32 v34, v51;
	v32 =	vadd.f32 $9.999999930e-09, v32  }
0xd7: {  	v33 =	vsub.f32 v33, v50;
	v35 =	vmul.f32 $1.562500000e-02, v35;
	v52 =	vmul.f32 v31, v31  }
0xd8: {  	v26 =	vsub.f32 v26, v28;
	v34 =	vadd.f32 $9.999999930e-09, v34;
	v53 =	vshrl.u32 v32, $0x1  }
0xd9: {  	v32 =	vmul.f32 $5.000000000e-01, v32;
	v33 =	vadd.f32 $9.999999930e-09, v33;
	v35 =	vsub.f32 v35, v52  }
0xda: {  	v36 =	vsub.s32 $0x5F3759DF, v53;
	v57 =	vshrl.u32 v34, $0x1;
	v34 =	vmul.f32 $5.000000000e-01, v34  }
0xdb: {  	v25 =	vsub.f32 v25, v28;
	v55 =	vmul.f32 v36, v32;
	v40 =	vsub.s32 $0x5F3759DF, v57  }
0xdc: {  	v54 =	vshrl.u32 v33, $0x1;
	v35 =	vadd.f32 $9.999999930e-09, v35;
	v59 =	vmul.f32 v40, v34  }
0xdd: {  	v33 =	vmul.f32 $5.000000000e-01, v33;
	v37 =	vsub.s32 $0x5F3759DF, v54;
	v38 =	vmul.f32 v36, v55  }
0xde: {  	v58 =	vshrl.u32 v35, $0x1;
	v35 =	vmul.f32 $5.000000000e-01, v35;
	v42 =	vmul.f32 v40, v59  }
0xdf: {  	v56 =	vmul.f32 v37, v33;
	v41 =	vsub.s32 $0x5F3759DF, v58;
	v38 =	vsub.f32 $1.500000000e+00, v38  }
0xe0: {  	v24 =	vsub.f32 v24, v28;
	v60 =	vmul.f32 v41, v35;
	v61 =	vsub.f32 $1.500000000e+00, v42  }
0xe1: {  	v19 =	vsub.f32 v19, v30;
	v39 =	vmul.f32 v37, v56;
	v36 =	vmul.f32 v36, v38  }
0xe2: {  	v18 =	vsub.f32 v18, v30;
	v43 =	vmul.f32 v41, v60;
	v38 =	vmul.f32 v40, v61  }
0xe3: {  	v17 =	vsub.f32 v17, v30;
	v39 =	vsub.f32 $1.500000000e+00, v39;
	v32 =	vmul.f32 v36, v32  }
0xe4: {  	v16 =	vsub.f32 v16, v30;
	v62 =	vsub.f32 $1.500000000e+00, v43;
	v34 =	vmul.f32 v38, v34  }
0xe5: {  	v23 =	vsub.f32 v23, v29;
	v37 =	vmul.f32 v37, v39;
	v32 =	vmul.f32 v32, v36  }
0xe6: {  	v22 =	vsub.f32 v22, v29;
	v39 =	vmul.f32 v41, v62;
	v34 =	vmul.f32 v34, v38  }
0xe7: {  	v21 =	vsub.f32 v21, v29;
	v33 =	vmul.f32 v37, v33;
	v32 =	vsub.f32 $1.500000000e+00, v32  }
0xe8: {  	v20 =	vsub.f32 v20, v29;
	v35 =	vmul.f32 v39, v35;
	v34 =	vsub.f32 $1.500000000e+00, v34  }
0xe9: {  	v15 =	vsub.f32 v15, v31;
	v33 =	vmul.f32 v33, v37;
	v32 =	vmul.f32 v32, v36  }
0xea: {  	v13 =	vsub.f32 v13, v31;
	v35 =	vmul.f32 v35, v39;
	v34 =	vmul.f32 v34, v38  }
0xeb: {  	v33 =	vsub.f32 $1.500000000e+00, v33;
	v27 =	vmul.f32 v32, v27;
	v26 =	vmul.f32 v32, v26  }
0xec: {  	v12 =	vsub.f32 v12, v31;
	v25 =	vmul.f32 v32, v25;
	v24 =	vmul.f32 v32, v24  }
0xed: {  	v14 =	vsub.f32 v14, v31;
	v33 =	vmul.f32 v33, v37;
	v27 =	vmul.f32 v27, v4  }
0xee: {  	v35 =	vsub.f32 $1.500000000e+00, v35;
	v26 =	vmul.f32 v26, v5;
	v25 =	vmul.f32 v25, v6  }
0xef: {  	v24 =	vmul.f32 v24, v7;
	v19 =	vmul.f32 v34, v19;
	v27 =	vadd.f32 v27, v8  }
0xf0: {  	v18 =	vmul.f32 v34, v18;
	v17 =	vmul.f32 v34, v17;
	v26 =	vadd.f32 v26, v9  }
0xf1: {  	v16 =	vmul.f32 v34, v16;
	v25 =	vadd.f32 v25, v10;
	v19 =	vmul.f32 v19, v4;
	[tilespmem:s18+$0x0] =	vst v27  }
0xf2: {  	v35 =	vmul.f32 v35, v39;
	v24 =	vadd.f32 v24, v11;
	v18 =	vmul.f32 v18, v5;
	[tilespmem:s18+$0x10] =	vst v26  }
0xf3: {  	v23 =	vmul.f32 v33, v23;
	v17 =	vmul.f32 v17, v6;
	[tilespmem:s18+$0x20] =	vst v25;
	v19 =	vadd.f32 v19, v8  }
0xf4: {  	v22 =	vmul.f32 v33, v22;
	v16 =	vmul.f32 v16, v7;
	[tilespmem:s18+$0x30] =	vst v24;
	v18 =	vadd.f32 v18, v9  }
0xf5: {  	v21 =	vmul.f32 v33, v21;
	v23 =	vmul.f32 v23, v4;
	v17 =	vadd.f32 v17, v10;
	[tilespmem:s18+$0x80] =	vst v19  }
0xf6: {  	v20 =	vmul.f32 v33, v20;
	v22 =	vmul.f32 v22, v5;
	v16 =	vadd.f32 v16, v11;
	[tilespmem:s18+$0x90] =	vst v18  }
0xf7: {  	v21 =	vmul.f32 v21, v6;
	v15 =	vmul.f32 v35, v15;
	v23 =	vadd.f32 v23, v8;
	[tilespmem:s18+$0xA0] =	vst v17  }
0xf8: {  	v20 =	vmul.f32 v20, v7;
	v13 =	vmul.f32 v35, v13;
	v22 =	vadd.f32 v22, v9;
	[tilespmem:s18+$0xB0] =	vst v16  }
0xf9: {  	v12 =	vmul.f32 v35, v12;
	v21 =	vadd.f32 v21, v10;
	v15 =	vmul.f32 v15, v4;
	[tilespmem:s18+$0x40] =	vst v23  }
0xfa: {  	v14 =	vmul.f32 v35, v14;
	v20 =	vadd.f32 v20, v11;
	v13 =	vmul.f32 v13, v5;
	[tilespmem:s18+$0x50] =	vst v22  }
0xfb: {  	p0 =	sne.s32 s15, $0x1FC00;
	v12 =	vmul.f32 v12, v6;
	[tilespmem:s18+$0x60] =	vst v21;
	v15 =	vadd.f32 v15, v8  }
.Ltmp4:
0xfc: {  	v14 =	vmul.f32 v14, v7;
	[tilespmem:s18+$0x70] =	vst v20;
	v13 =	vadd.f32 v13, v9;
	(pc) =	sbr.rel @p0 .LBB2_9-.Ltmp4, $4  }
0xfd: {  	v12 =	vadd.f32 v12, v10;
	[tilespmem:s18+$0xC0] =	vst v15  }
0xfe: {  	v63 =	vadd.f32 v14, v11;
	[tilespmem:s18+$0xD0] =	vst v13  }
0xff: {  	s12 =	sadd.s32 $0x100, s12;
	[tilespmem:s18+$0xE0] =	vst v12  }
0x100: {  	s20 =	sadd.s32 $0x4, s20;
	s1 =	sadd.s32 $0x4, s1;
	s15 =	sadd.s32 $0x400, s15;
	[tilespmem:s18+$0xF0] =	vst v63  }
0x101: {  	p0 =	sne.s32 s30, $0x32  }
.Ltmp5:
0x102: {  	_ = 	snop;
	(pc) =	sbr.rel @p0 .LBB2_2-.Ltmp5, $4  }
0x103: {  	s0 =	sshll.u32 s0, $0x9  }
0x104: {  	s1 =	sadd.s32 $0x7, s31;
	s0 =	sadd.s32 s4, s0  }
0x105: {  	[hbm4b:s0+s6] =	stream.linear.scatter [tilespmem:s2], [sflag:s1], $0x8000, $0x38;
	[tilespmem:$0x1B880] =	vst v63  }
0x106: {  	s29 =	sadd.s32 $0x200, s29;
	s28 =	sadd.s32 $0x20000, s28;
	s0 =	smov.u32 s30  }
0x107: {  	_ =	swait.ge [sflag:s17], $0x8000  }
0x108: {  	[sflag:s17] =	ssyncset.done $0x0  }
0x109: {  	[sflag:s17] =	ssyncadd.s32 $0xFFFF8000  }
0x10a: {  	_ =	swait.ge [sflag:s23], $0x8000  }
0x10b: {  	[sflag:s23] =	ssyncset.done $0x0  }
0x10c: {  	[sflag:s23] =	ssyncadd.s32 $0xFFFF8000  }
0x10d: {  	_ =	swait.ge [sflag:s24], $0x8000  }
0x10e: {  	s26 =	sadd.s32 $0x1, s26;
	s0 =	rddreg [dreg:$0x8]  }
0x10f: {  	p0 =	sne.s32 s26, s0  }
.Ltmp6:
0x110: {  	_ = 	snop;
	(pc) =	sbr.rel @p0 .LBB2_1-.Ltmp6, $3  }
0x111: {  	_ =	sdelay $0x1  }
0x112: {  	[sflag:s24] =	ssyncset.done $0x0  }
0x113: {  	[sflag:s24] =	ssyncadd.s32 $0xFFFF8000  }
0x114: {  	_ =	sfence.sel $0x180000  }
0x115: {  	[bflag:$0x0] =	sbarrier.arrive $0xFFFF  }
0x116: {  	_ =	strace $0x90000047  }
0x117: {  	s0 =	stileid.u32;
	[bflag:$0x2] =	sbarrier.arrive $0xFFFF  }
0x118: {  	p0 =	sne.s32 s0, $0x0;
	s0 =	rddreg [dreg:$0x4]  }
0x119: {  	s0 =	sadd.s32 @!p0 $0x100000, s0  }
0x11a: {  	[sflag:s0] =	ssyncadd.tile.s32 @!p0 $0x1;
	_ =	shalt  }
.Lfunc_end2:
_tile_overlayer_lowered:
.L_overlay_start_2:
0x11b: {  	(tag) =	ssettag $0x2  }
0x11c: {  	s0 =	rddreg [dreg:$0x0];
	s2 =	stileid.u32  }
0x11d: {  	s1 =	rddreg [dreg:$0x1];
	p0 =	sne.s32 s2, $0x0  }
0x11e: {  	s3 =	rddreg [dreg:$0x2];
	[bflag:$0x3] =	sbarrier.arrive $0xFFFF;
	s2 =	simm.s32 @!p0 $0x1C0A  }
0x11f: {  	[timem:s3], [sflag:s2] =	dma.local @!p0 [hbm:s0], s1  }
0x120: {  	s0 =	simm.s32 @!p0 $0xA  }
0x121: {  	_ =	swait.ge @!p0 [sflag:s0], s1  }
0x122: {  	s1 =	ssub.s32 @!p0 $0x0, s1;
	[sflag:s0] =	ssyncset.done @!p0 $0x0  }
0x123: {  	[sflag:s0] =	ssyncadd.s32 @!p0 s1  }
0x124: {  	[bflag:$0x3] =	sbarrier.arrive $0xFFFF  }
0x125: {  	_ =	shalt  }

// kernel: sparse-core-data-format-call.cloned.1.call-start
scs
called_computation_lowered:
.L_overlay_start_0:
0x0: {  	s2 =	sld [smem:$0x3FD9]  }
0x1: {  	s3 =	sld [smem:$0x3FFE];
	_ =	sdelay $0x1  }
0x2: {  	s1 =	srdreg.scid  }
0x3: {  	s0 =	sand.u32 $0x1, s1  }
0x4: {  	s18 =	sshll.u32 s0, $0xA;
	s2 =	sadd.s32 s3, s2  }
0x5: {  	s2 =	sadd.s32 s2, s18  }
0x6: {  	[smem:$0x3FC3] =	sst s2  }
0x7: {  	_ = 	snop  }
0x8: {  	s2 =	sld [smem:$0x3FD0];
	(tm) =	ssettm $0x1  }
0x9: {  	s19 =	sld [smem:$0x3FFB];
	_ =	sdelay $0x3  }
0xa: {  	_ =	strace s19  }
0xb: {  	s3 =	sld [smem:$0x3FFC];
	_ =	sdelay $0x3  }
0xc: {  	_ =	strace s3  }
0xd: {  	s3 =	sld [smem:$0x3FFD];
	_ =	sdelay $0x3  }
0xe: {  	_ =	strace s3  }
0xf: {  	_ =	strace $0x8FFFFFFF  }
0x10: {  	s20 =	sld [smem:$0x3FDB];
	_ =	sdelay $0x1  }
0x11: {  	s4 =	simm.s32 $_scs_section_size  }
0x12: {  	s5 =	simm.s32 $_size__tile_overlayer_lowered;
	s6 =	simm.s32 $_tile_overlayer_lowered  }
0x13: {  	s23 =	simm.s32 $0x1BFF;
	s22 =	sshll.u32 s6, $0x1;
	s3 =	sadd.s32 s4, s20  }
0x14: {  	s7 =	simm.s32 $0x0;
	s21 =	sshll.u32 s5, $0x1;
	s5 =	sadd.s32 s22, s3  }
0x15: {  	[timem:s7], [sflag:s23] =	dma.local [hbm:s5], s21  }
0x16: {  	_ =	swait.ge [sflag:s23], s21  }
0x17: {  	s4 =	ssub.s32 $0x0, s21;
	[sflag:s23] =	ssyncset.done $0x0  }
0x18: {  	[sflag:s23] =	ssyncadd.s32 s4;
	_ =	sdelay $0x1  }
0x19: {  	s24 =	simm.s32 $0x1B8B  }
0x1a: {  	_ =	swait.ge [sflag:s24], $0x1  }
0x1b: {  	[sflag:s24] =	ssyncset.done $0x0  }
0x1c: {  	s26 =	simm.s32 $0x1B8E;
	s25 =	sld [smem:$0x3FFE];
	[sflag:s24] =	ssyncadd.s32 $0xFFFFFFFF  }
0x1d: {  	s27 =	simm.s32 $execute0_lowered;
	[smem:$0x3FD2] =	sst s26  }
0x1e: {  	s5 =	sshll.u32 s27, $0x1;
	_ =	strace $0x80000049;
	[dreg:$0x1] =	wrdreg $0xFFFFFFFF  }
0x1f: {  	s28 =	simm.s32 $_size_execute0_lowered;
	s3 =	sadd.s32 s3, s5;
	[dreg:$0x0] =	wrdreg $0x0  }
0x20: {  	s5 =	sshll.u32 s28, $0x1;
	[dreg:$0x2] =	wrdreg s3  }
0x21: {  	[dreg:$0x3] =	wrdreg s5  }
0x22: {  	[dreg:$0x4] =	wrdreg $0xC0  }
0x23: {  	_ =	task [dreg:s7], $0x5FFFF  }
0x24: {  	[dreg:$0x1] =	wrdreg $0xFFFFFFFF  }
0x25: {  	[dreg:$0x0] =	wrdreg $0x60  }
0x26: {  	[dreg:$0x2] =	wrdreg s25  }
0x27: {  	[dreg:$0x3] =	wrdreg s2  }
0x28: {  	[dreg:$0x4] =	wrdreg $0x9  }
0x29: {  	_ =	task.clear_ibuf [dreg:s7], $0x5FFFF;
	_ =	strace $0x90000049  }
0x2a: {  	s29 =	simm.s32 $0x9;
	_ =	strace $0x8000004B  }
0x2b: {  	_ =	swait.ge [sflag:s29], $0x1  }
0x2c: {  	[sflag:s29] =	ssyncadd.s32 $0xFFFFFFFF  }
0x2d: {  	_ =	strace $0x9000004B  }
0x2e: {  	_ =	sfence  }
0x2f: {  	s30 =	sld [smem:$0x0];
	_ =	sdelay $0x2  }
0x30: {  	s31 =	sshll.u32 s1, $0xD;
	s1 =	sshrl.u32 s1, $0x2  }
0x31: {  	s3 =	sand.u32 $0x4000, s31;
	s1 =	sadd.s32 s1, s30  }
0x32: {  	s0 =	sor.u32 s3, s0;
	s1 =	sshll.u32 s1, $0x11  }
0x33: {  	s0 =	sor.u32 s1, s0  }
0x34: {  	s0 =	sadd.s32 $0x8F2B, s0  }
0x35: {  	[sflag:s0] =	ssyncadd.remote.s32 $0x1  }
0x36: {  	_ =	sfence.sel $0xFFFF  }
0x37: {  	[dreg:$0x0] =	wrdreg $0xFFFFFFFF;
	(pc) =	sbr.abs _section_cstart, $3  }
0x38: {  	[dreg:$0x1] =	wrdreg $0xFFFFFFFF  }
0x39: {  	_ =	task.clear_ibuf [dreg:s7], $0x2FFFF;
	_ =	strace $0x9FFFFFFF  }
0x3a: {  	(tm) =	ssettm $0x7FFFFFFF  }
0x3b: {  	_ =	shalt  }
tec
execute0_lowered:
.L_overlay_start_1:
0x0: {  	(tag) =	ssettag $0x1  }
0x1: {  	s0 =	srdreg.scid  }
0x2: {  	s1 =	sshll.u32 s0, $0x4  }
0x3: {  	s0 =	stileid.u32;
	s1 =	sand.u32 $0x10, s1  }
0x4: {  	s1 =	sor.u32 s0, s1  }
0x5: {  	s6 =	rddreg [dreg:$0x0];
	s4 =	simm.s32 $0x1;
	s2 =	sshll.u32 s1, $0x7  }
0x6: {  	s7 =	simm.s32 $0x2;
	s12 =	simm.s32 $0x0;
	s1 =	ssub.s32 $0x1000, s2  }
0x7: {  	s8 =	simm.s32 $0x8000;
	s13 =	simm.s32 $0x0;
	s3 =	sand.u32 $0xF80, s1  }
0x8: {  	s9 =	simm.s32 $0x0;
	s5 =	sshrl.u32 s1, $0xC;
	p0 =	sne.s32 s3, $0x0  }
.Ltmp0:
0x9: {  	s1 =	rddreg [dreg:$0x2];
	s4 =	simm.s32 @!p0 $0x0;
	(pc) =	sbr.rel .LBB1_1-.Ltmp0, $4  }
0xa: {  	s11 =	simm.s32 $0x0;
	s3 =	rddreg [dreg:$0x1];
	s5 =	sadd.s32 s4, s5  }
0xb: {  	_ =	strace $0x8000004A;
	s4 =	simm.s32 $0x1;
	s5 =	smul.u32 $0xC8, s5  }
0xc: {  	s6 =	sadd.s32 $0xC00, s6;
	s10 =	smov.u32 s2;
	[sflag:s4] =	ssyncpa.u1 $0x0  }
0xd: {  	p0 =	por $0x0, $0x0;
	[sflag:s7] =	ssyncpa.u1 $0x0;
	s7 =	sor.u32 $0x1, s5  }
.LBB1_4:
0xe: {  	s16 =	sshll.u32 s13, $0x3;
	s17 =	sand.u32 $0x78, s13  }
0xf: {  	s30 =	sand.u32 $0x7E00, s13;
	s12 =	sshll.u32 s12, $0xF;
	s16 =	sand.u32 $0xC00, s16  }
0x10: {  	[tilespmem:s15+$0x810 ss:$0x81] =	vst.msk $0xffff, v2;
	s31 =	sand.u32 $0x7, s13;
	s16 =	sor.u32 s17, s16;
	s17 =	sadd.s32 s3, s30  }
0x11: {  	[tilespmem:s15+$0x1020 ss:$0x81] =	vst.msk $0xffff, v0;
	s13 =	sshll.u32 s31, $0x12;
	s12 =	sadd.s32 s12, s17;
	s16 =	sshrl.u32 s16, $0x3  }
0x12: {  	[tilespmem:s15+$0x0 ss:$0x81] =	vst.msk $0xffff, v1;
	s13 =	sor.u32 $0x400, s13;
	s12 =	sadd.s32 s16, s12  }
0x13: {  	[hbm4b:s12+s13] =	stream.strided.scatter [tilespmem:s14], [sflag:$0x2], $0x2000, s8, s13, $0x20;
	[tilespmem:$0x8080] =	vst v63  }
.LBB1_5:
0x14: {  	s14 =	sadd.s32 $0x1, s9  }
0x15: {  	s12 =	sadd.s32 $0x1000, s10;
	s16 =	smov.u32 s10;
	p2 =	sgt.s32 s14, $0xC7  }
0x16: {  	s16 =	smov.u32 @p2 s12  }
0x17: {  	s14 =	simm.s32 @p2 $0x0;
	p2 =	sgt.s32 s16, $0xFFF  }
0x18: {  	s16 =	smov.u32 @p2 s2;
	p2 =	sne.s32 s11, s7  }
.Ltmp1:
0x19: {  	p1 =	slt.u32 s11, $0x2;
	(pc) =	sbr.rel @!p2 .LBB1_6-.Ltmp1, $4  }
0x1a: {  	s15 =	simm.s32 @!p1 $0x2  }
0x1b: {  	s13 =	smov.u32 s10;
	p0 =	por !p0, !p0;
	_ =	swait.ge @!p1 [sflag:s15], $0x2000  }
0x1c: {  	s12 =	smov.u32 s9;
	[sflag:s15] =	ssyncset.done @!p1 $0x0;
	s9 =	smov.u32 s14  }
0x1d: {  	s11 =	sadd.s32 $0x1, s11;
	[sflag:s15] =	ssyncadd.s32 @!p1 $0xFFFFE000;
	s10 =	smov.u32 s16  }
.LBB1_1:
0x1e: {  	p1 =	sge.u32 s11, s5  }
0x1f: {  	s14 =	sand.u32 @!p1 $0x1FFFFFF, s9  }
0x20: {  	s15 =	smulhi.u32 @!p1 $0x147AE15, s14;
	_ =	sdelay $0x1  }
0x21: {  	s15 =	smul.u32 @!p1 $0xC8, s15  }
0x22: {  	s16 =	sxor.u32 @!p1 $0xFFFFFFFF, s11;
	s17 =	smul.u32 @!p1 $0xC80, s10  }
0x23: {  	s31 =	sadd.s32 $0xFFFFFFFF, s11;
	s16 =	sshll.u32 @!p1 s16, $0xD;
	s14 =	ssub.s32 @!p1 s14, s15  }
0x24: {  	s15 =	sand.u32 @!p1 $0x2000, s16;
	s16 =	sadd.s32 @!p1 s6, s17;
	s14 =	sshll.u32 @!p1 s14, $0x4  }
0x25: {  	s17 =	simm.s32 @!p1 $0x6400;
	s14 =	sadd.s32 @!p1 s14, s16;
	s16 =	simm.s32 @!p1 $0x40  }
0x26: {  	[tilespmem:s15], [sflag:$0x1] =	stream.strided.gather @!p1 [hbm4b:s14+s16], $0x2000, s17, s16, $0x38;
	[tilespmem:$0x8080] =	vst v63  }
0x27: {  	p1 =	sge.u32 s31, s5  }
.Ltmp2:
0x28: {  	_ = 	snop;
	(pc) =	sbr.rel @p1 .LBB1_5-.Ltmp2, $1  }
0x29: {  	_ =	sdelay $0x3  }
0x2a: {  	s14 =	simm.s32 $0x1  }
0x2b: {  	_ =	swait.ge [sflag:s4], $0x2000;
	s14 =	simm.s32 @!p0 $0x0  }
0x2c: {  	[sflag:s4] =	ssyncset.done $0x0;
	s15 =	sshll.u32 s14, $0xD  }
0x2d: {  	[sflag:s4] =	ssyncadd.s32 $0xFFFFE000;
	s18 =	sor.u32 $0x20, s15  }
0x2e: {  	s14 =	smul.u32 $0x8100, s14;
	v3 =	vld [tilespmem:s18+$0x10]  }
0x2f: {  	s30 =	sand.u32 $0x1, s11;
	v2 =	vld [tilespmem:s18+$0xFFFFFFF0]  }
0x30: {  	s15 =	smul.u32 $0x8100, s30;
	s14 =	sshrl.u32 s14, $0x2;
	v0 =	vld [tilespmem:s18+$0x0]  }
0x31: {  	v1 =	vld [tilespmem:s18+$0xFFFFFFE0];
	s16 =	sor.u32 $0x4000, s14  }
0x32: {  	s31 =	sshrl.u32 s15, $0x2;
	s15 =	sadd.s32 $0x0, s16  }
0x33: {  	s17 =	simm.s32 $0x4;
	s18 =	sadd.s32 $0x40, s18;
	s14 =	sor.u32 $0x4000, s31;
	[tilespmem:s15+$0x1830 ss:$0x81] =	vst.msk $0xffff, v3  }
.LBB1_3:
0x34: {  	v3 =	vld [tilespmem:s18+$0x10];
	p1 =	sne.s32 s17, $0x1FC;
	[tilespmem:s15+$0x810 ss:$0x81] =	vst.msk $0xffff, v2;
	s19 =	smov.u32 s17;
	s17 =	sadd.s32 $0x4, s17  }
.Ltmp3:
0x35: {  	v2 =	vld [tilespmem:s18+$0xFFFFFFF0];
	[tilespmem:s15+$0x1020 ss:$0x81] =	vst.msk $0xffff, v0;
	(pc) =	sbr.rel @p1 .LBB1_3-.Ltmp3, $4  }
0x36: {  	v0 =	vld [tilespmem:s18+$0x0];
	[tilespmem:s15+$0x0 ss:$0x81] =	vst.msk $0xffff, v1  }
0x37: {  	s15 =	sshra.s32 s19, $0x2;
	v1 =	vld [tilespmem:s18+$0xFFFFFFE0]  }
0x38: {  	s15 =	sadd.s32 s15, s16  }
0x39: {  	s18 =	sadd.s32 $0x40, s18;
	[tilespmem:s15+$0x1830 ss:$0x81] =	vst.msk $0xffff, v3  }
.Ltmp4:
0x3a: {  	_ = 	snop;
	(pc) =	sbr.rel .LBB1_4-.Ltmp4, $1  }
0x3b: {  	_ =	sdelay $0x3  }
.LBB1_6:
0x3c: {  	_ =	sfence.sel $0x180000  }
0x3d: {  	s2 =	simm.s32 $0x1;
	[bflag:$0x0] =	sbarrier.arrive $0xFFFF  }
0x3e: {  	s31 =	simm.s32 $0x2;
	[sflag:s2] =	ssyncpa.u1 $0x1  }
0x3f: {  	[sflag:s31] =	ssyncpa.u1 $0x1  }
0x40: {  	p0 =	sne.s32 s0, $0x0;
	_ =	strace $0x9000004A  }
0x41: {  	s0 =	sadd.s32 @!p0 $0x100000, s1;
	[bflag:$0x2] =	sbarrier.arrive $0xFFFF  }
0x42: {  	[sflag:s0] =	ssyncadd.tile.s32 @!p0 $0x1;
	_ =	shalt  }
.Lfunc_end1:
_tile_overlayer_lowered:
.L_overlay_start_2:
0x43: {  	(tag) =	ssettag $0x2  }
0x44: {  	s0 =	rddreg [dreg:$0x0];
	s2 =	stileid.u32  }
0x45: {  	s1 =	rddreg [dreg:$0x1];
	p0 =	sne.s32 s2, $0x0  }
0x46: {  	s3 =	rddreg [dreg:$0x2];
	[bflag:$0x3] =	sbarrier.arrive $0xFFFF;
	s2 =	simm.s32 @!p0 $0x1C01  }
0x47: {  	[timem:s3], [sflag:s2] =	dma.local @!p0 [hbm:s0], s1  }
0x48: {  	s0 =	simm.s32 @!p0 $0x1  }
0x49: {  	_ =	swait.ge @!p0 [sflag:s0], s1  }
0x4a: {  	s1 =	ssub.s32 @!p0 $0x0, s1;
	[sflag:s0] =	ssyncset.done @!p0 $0x0  }
0x4b: {  	[sflag:s0] =	ssyncadd.s32 @!p0 s1  }
0x4c: {  	[bflag:$0x3] =	sbarrier.arrive $0xFFFF  }
0x4d: {  	_ =	shalt  }

</sc_bundles>
